<compile_context>
chip_gen: v7x
topology: tpu7x:2x2x1
jax: 0.10.2.dev20260603
libtpu: 0.0.44.dev20260713+nightly
codegen_flags: <defaults>
</compile_context>

<pallas_src>
import functools

import jax
import jax.numpy as jnp
from jax import lax
from jax.experimental import pallas as pl
from jax.experimental.pallas import tpu as pltpu
from jax.experimental.pallas import tpu_sc as plsc

_N = 10000
_D = 256
_E = 160000
_Q = 2
_HQ = _D // _Q
_PASSES = _Q // 2
_NC = 2
_NS = 16
_B = 64
_CH = 158
_PT = _B * _CH
_EP = _PT * _NS
_NPAD = 10240
_RPT = _NPAD // _NS


def _sc_aggregate(xs, src3, dst3, ones8, zcnt8):
    mesh = plsc.VectorSubcoreMesh(core_axis_name="c", subcore_axis_name="s")

    @functools.partial(
        pl.kernel,
        out_type=(
            jax.ShapeDtypeStruct((_Q, _NPAD, _HQ), jnp.float32),
            jax.ShapeDtypeStruct((_NPAD, 8), jnp.float32),
        ),
        mesh=mesh,
        compiler_params=pltpu.CompilerParams(use_tc_tiling_on_sc=False),
        scratch_types=[
            pltpu.VMEM((_CH, _B), jnp.int32),
            pltpu.VMEM((_CH, _B), jnp.int32),
            pltpu.VMEM((2, _B, _HQ), jnp.float32),
            pltpu.VMEM((_B, 8), jnp.float32),
            pltpu.VMEM_SHARED((_NPAD, _HQ), jnp.float32),
            pltpu.VMEM_SHARED((_NPAD, 8), jnp.float32),
            pltpu.SemaphoreType.DMA,
        ],
    )
    def k(xs_hbm, src_hbm, dst_hbm, ones_hbm, zcnt_hbm, sums_hbm, cnt_hbm,
          src_v, dst_v, gb2, ones_v, acc_sh, cnt_sh, sem):
        c = lax.axis_index("c")
        s = lax.axis_index("s")

        pltpu.sync_copy(src_hbm.at[s], src_v)
        pltpu.sync_copy(dst_hbm.at[s], dst_v)
        pltpu.sync_copy(ones_hbm, ones_v)

        def add_src_offset(off):
            def row(j, carry):
                def col(k2, carry2):
                    sl = pl.ds(k2 * 16, 16)
                    src_v[j, sl] = src_v[j, sl] + off
                    return carry2
                return lax.fori_loop(0, _B // 16, col, carry)
            lax.fori_loop(0, _CH, row, 0)

        @pl.when(c == 1)
        def _():
            add_src_offset(_PASSES * _N)

        base = s * _RPT
        for p in range(_PASSES):
            if p == 1:
                add_src_offset(_N)

            def fill(j, carry):
                def col(k2, carry2):
                    gb2[0, j, pl.ds(k2 * 16, 16)] = jnp.zeros((16,),
                                                              jnp.float32)
                    return carry2
                return lax.fori_loop(0, _HQ // 16, col, carry)
            lax.fori_loop(0, _B, fill, 0)

            def zblk(i, carry):
                pltpu.sync_copy(gb2.at[0],
                                acc_sh.at[pl.ds(base + i * _B, _B)])
                return carry
            lax.fori_loop(0, _RPT // _B, zblk, 0)
            if p == 0:
                pltpu.sync_copy(zcnt_hbm, cnt_sh.at[pl.ds(base, _RPT)])
            plsc.subcore_barrier()

            count_here = p == 0
            pltpu.async_copy(xs_hbm.at[src_v.at[0]], gb2.at[0], sem)

            def chunk(j, carry):
                par = lax.rem(j, 2)
                pltpu.make_async_copy(xs_hbm.at[src_v.at[j]], gb2.at[par],
                                      sem).wait()

                @pl.when(j + 1 < _CH)
                def _():
                    pltpu.async_copy(xs_hbm.at[src_v.at[j + 1]],
                                     gb2.at[1 - par], sem)
                pltpu.sync_copy(gb2.at[par], acc_sh.at[dst_v.at[j]],
                                add=True)
                if count_here:
                    @pl.when(c == 0)
                    def _():
                        pltpu.sync_copy(ones_v, cnt_sh.at[dst_v.at[j]],
                                        add=True)
                return carry
            lax.fori_loop(0, _CH, chunk, 0)
            plsc.subcore_barrier()

            pltpu.sync_copy(acc_sh.at[pl.ds(base, _RPT)],
                            sums_hbm.at[_PASSES * c + p, pl.ds(base, _RPT)])
            if p == 0:
                @pl.when(c == 0)
                def _():
                    pltpu.sync_copy(cnt_sh.at[pl.ds(base, _RPT)],
                                    cnt_hbm.at[pl.ds(base, _RPT)])

    return k(xs, src3, dst3, ones8, zcnt8)


_BN = 1000


def _combine(agg, cnt_blk, xfull, wl, wr, b):
    mean = agg / jnp.maximum(cnt_blk[:, 0:1], 1.0)
    return (lax.dot_general(mean, wl, (((1,), (1,)), ((), ())),
                            preferred_element_type=jnp.float32)
            + lax.dot_general(xfull, wr, (((1,), (1,)), ((), ())),
                              preferred_element_type=jnp.float32)
            + b)


def _l1_body(sums_ref, cnt_ref, x_ref, wl_ref, wr_ref, b_ref, out_ref):
    sm = sums_ref[...]
    agg = jnp.concatenate([sm[q] for q in range(_Q)], axis=1)
    res = _combine(agg, cnt_ref[...], x_ref[...], wl_ref[...],
                   wr_ref[...], b_ref[...])
    res = jnp.maximum(res, 0.0)
    out_ref[...] = jnp.stack(
        [res[:, q * _HQ:(q + 1) * _HQ] for q in range(_Q)], axis=0)


def _l2_body(sums_ref, cnt_ref, h_ref, wl_ref, wr_ref, b_ref, out_ref):
    sm = sums_ref[...]
    agg = jnp.concatenate([sm[q] for q in range(_Q)], axis=1)
    hm = h_ref[...]
    hfull = jnp.concatenate([hm[q] for q in range(_Q)], axis=1)
    out_ref[...] = _combine(agg, cnt_ref[...], hfull, wl_ref[...],
                            wr_ref[...], b_ref[...])


_W_SPEC = pl.BlockSpec((_D, _D), lambda i: (0, 0))
_B_SPEC = pl.BlockSpec((1, _D), lambda i: (0, 0))
_SUMS_SPEC = pl.BlockSpec((_Q, _BN, _HQ), lambda i: (0, i, 0))
_CNT_SPEC = pl.BlockSpec((_BN, 8), lambda i: (i, 0))
_HS_SPEC = pl.BlockSpec((_Q, _BN, _HQ), lambda i: (0, i, 0))


def _tc_layer1(sums, cnt, x, wl, wr, b):
    return pl.pallas_call(
        _l1_body,
        grid=(_N // _BN,),
        in_specs=[_SUMS_SPEC, _CNT_SPEC,
                  pl.BlockSpec((_BN, _D), lambda i: (i, 0)),
                  _W_SPEC, _W_SPEC, _B_SPEC],
        out_specs=_HS_SPEC,
        out_shape=jax.ShapeDtypeStruct((_Q, _N, _HQ), jnp.float32),
    )(sums, cnt, x, wl, wr, b)


def _tc_layer2(sums, cnt, hs, wl, wr, b):
    return pl.pallas_call(
        _l2_body,
        grid=(_N // _BN,),
        in_specs=[_SUMS_SPEC, _CNT_SPEC, _HS_SPEC,
                  _W_SPEC, _W_SPEC, _B_SPEC],
        out_specs=pl.BlockSpec((_BN, _D), lambda i: (i, 0)),
        out_shape=jax.ShapeDtypeStruct((_N, _D), jnp.float32),
    )(sums, cnt, hs, wl, wr, b)


def kernel(x, edge_index, Wl1, bl1, Wr1, Wl2, bl2, Wr2):
    src = edge_index[0]
    dst = edge_index[1]
    pad = _EP - _E
    src3 = jnp.concatenate([src, jnp.zeros((pad,), jnp.int32)]
                           ).reshape(_NS, _CH, _B)
    dst3 = jnp.concatenate([dst, jnp.full((pad,), _N, jnp.int32)]
                           ).reshape(_NS, _CH, _B)

    ones8 = jnp.ones((_B, 8), jnp.float32)
    zcnt8 = jnp.zeros((_RPT, 8), jnp.float32)

    xs = jnp.concatenate([x[:, q * _HQ:(q + 1) * _HQ] for q in range(_Q)],
                         axis=0)
    sums1, cnt = _sc_aggregate(xs, src3, dst3, ones8, zcnt8)
    hs = _tc_layer1(sums1, cnt, x, Wl1, Wr1, bl1.reshape(1, _D))

    xs2 = hs.reshape(_Q * _N, _HQ)
    sums2, _cnt2 = _sc_aggregate(xs2, src3, dst3, ones8, zcnt8)
    out = _tc_layer2(sums2, cnt, hs, Wl2, Wr2, bl2.reshape(1, _D))
    return out

# --- scband reference (transcript-rebuilt; emitter-appended) ---
"""Pipeline reference for scband-gnn-21337397527230 (READ-ONLY COPY).

The authoritative reference and input builder live on the scoring server;
editing this copy changes nothing except your own understanding.
"""

import jax, jax.numpy as jnp
import numpy as np

N = 10000
E = 160000
D = 256


def setup_inputs(seed: int = 0) -> dict:
    key = jax.random.key(seed)
    ks = jax.random.split(key, 9)
    x = jax.random.normal(ks[0], (N, D), dtype=jnp.float32)
    edge_index = jax.random.randint(ks[1], (2, E), 0, N, dtype=jnp.int32)
    s = 1.0 / np.sqrt(D)
    Wl1 = jax.random.uniform(ks[2], (D, D), dtype=jnp.float32, minval=-s, maxval=s)
    bl1 = jax.random.uniform(ks[3], (D,), dtype=jnp.float32, minval=-s, maxval=s)
    Wr1 = jax.random.uniform(ks[4], (D, D), dtype=jnp.float32, minval=-s, maxval=s)
    Wl2 = jax.random.uniform(ks[5], (D, D), dtype=jnp.float32, minval=-s, maxval=s)
    bl2 = jax.random.uniform(ks[6], (D,), dtype=jnp.float32, minval=-s, maxval=s)
    Wr2 = jax.random.uniform(ks[7], (D, D), dtype=jnp.float32, minval=-s, maxval=s)
    return {"x": x, "edge_index": edge_index, "Wl1": Wl1, "bl1": bl1, "Wr1": Wr1,
            "Wl2": Wl2, "bl2": bl2, "Wr2": Wr2}


def _sage_conv(x, edge_index, Wl, bl, Wr):
    # PyG SAGEConv (mean aggregation):
    #   out = lin_l(mean_{j in N(i)} x_j) + lin_r(x_i)
    src = edge_index[0]
    dst = edge_index[1]
    msgs = x[src]  # gather source node features per edge
    summed = jax.ops.segment_sum(msgs, dst, num_segments=N)
    cnt = jax.ops.segment_sum(jnp.ones((edge_index.shape[1],), dtype=x.dtype), dst, num_segments=N)
    mean = summed / jnp.clip(cnt, 1.0)[:, None]
    return mean @ Wl.T + bl + x @ Wr.T


def reference(x, edge_index, Wl1, bl1, Wr1, Wl2, bl2, Wr2):
    h = jax.nn.relu(_sage_conv(x, edge_index, Wl1, bl1, Wr1))
    out = _sage_conv(h, edge_index, Wl2, bl2, Wr2)
    return out

if __name__ == "__main__":
    import jax
    _d = setup_inputs()
    print(jax.jit(kernel)(*tuple(_d.values())))

</pallas_src>

<mosaic_0001>
#map = affine_map<(d0, d1) -> (0, 0)>
#map1 = affine_map<(d0, d1) -> (0, 0, 0)>
module attributes {stable_mosaic.version = 14 : i64} {
  func.func @k(%arg0: i32, %arg1: i32, %arg2: memref<20000x128xf32, #tpu.memory_space<hbm>>, %arg3: memref<16x158x64xi32, #tpu.memory_space<hbm>>, %arg4: memref<16x158x64xi32, #tpu.memory_space<hbm>>, %arg5: memref<64x8xf32, #tpu.memory_space<hbm>>, %arg6: memref<640x8xf32, #tpu.memory_space<hbm>>, %arg7: memref<2x10240x128xf32, #tpu.memory_space<hbm>>, %arg8: memref<10240x8xf32, #tpu.memory_space<hbm>>, %arg9: memref<158x64xi32, #tpu.memory_space<vmem>>, %arg10: memref<158x64xi32, #tpu.memory_space<vmem>>, %arg11: memref<2x64x128xf32, #tpu.memory_space<vmem>>, %arg12: memref<64x8xf32, #tpu.memory_space<vmem>>, %arg13: memref<10240x128xf32, #tpu.memory_space<vmem_shared>>, %arg14: memref<10240x8xf32, #tpu.memory_space<vmem_shared>>, %arg15: memref<!tpu.dma_semaphore, #tpu.memory_space<semaphore_mem>>) attributes {dimension_semantics = [#tpu.dimension_semantics<core_parallel>, #tpu.dimension_semantics<subcore_parallel>], iteration_bounds = array<i64: 2, 16>, scalar_prefetch = 0 : i64, scratch_operands = 7 : i64, tpu.core_type = #tpu.core_type<sc_vector_subcore>, window_params = [{transform_indices = #map}, {transform_indices = #map1}, {transform_indices = #map1}, {transform_indices = #map}, {transform_indices = #map}, {transform_indices = #map1}, {transform_indices = #map}]} {
    "tpu.region"() ({
      %run_scoped3A = tpu.sem_alloc : memref<!tpu.dma_semaphore, #tpu.memory_space<semaphore_mem>>
      %dma_start3A_40 = arith.constant 0 : i32
      %dma_start3A_41 = arith.constant 0 : i32
      %dma_start3A_42 = tpu.memref_slice %arg3[%arg1, %dma_start3A_40, %dma_start3A_41] : memref<16x158x64xi32, #tpu.memory_space<hbm>> -> memref<1x158x64xi32, #tpu.memory_space<hbm>>
      %dma_start3A_43 = tpu.memref_squeeze %dma_start3A_42 : memref<1x158x64xi32, #tpu.memory_space<hbm>> -> memref<158x64xi32, #tpu.memory_space<hbm>>
      %dma_start3A_44 = arith.constant 0 : i32
      %dma_start3A_45 = arith.constant 0 : i32
      %dma_start3A_46 = tpu.memref_slice %arg3[%arg1, %dma_start3A_44, %dma_start3A_45] : memref<16x158x64xi32, #tpu.memory_space<hbm>> -> memref<1x158x64xi32, #tpu.memory_space<hbm>>
      %dma_start3A_47 = tpu.memref_squeeze %dma_start3A_46 : memref<1x158x64xi32, #tpu.memory_space<hbm>> -> memref<158x64xi32, #tpu.memory_space<hbm>>
      tpu.enqueue_dma source(%dma_start3A_47 : memref<158x64xi32, #tpu.memory_space<hbm>>) target(%arg9 : memref<158x64xi32, #tpu.memory_space<vmem>>) target_semaphore(%run_scoped3A : memref<!tpu.dma_semaphore, #tpu.memory_space<semaphore_mem>>)
      %dma_wait3A = arith.constant 0 : i32
      %dma_wait3A_48 = arith.constant 0 : i32
      %dma_wait3A_49 = tpu.memref_slice %arg3[%arg1, %dma_wait3A, %dma_wait3A_48] : memref<16x158x64xi32, #tpu.memory_space<hbm>> -> memref<1x158x64xi32, #tpu.memory_space<hbm>>
      %dma_wait3A_50 = tpu.memref_squeeze %dma_wait3A_49 : memref<1x158x64xi32, #tpu.memory_space<hbm>> -> memref<158x64xi32, #tpu.memory_space<hbm>>
      %dma_wait3A_51 = arith.constant 0 : i32
      %dma_wait3A_52 = arith.constant 0 : i32
      %dma_wait3A_53 = tpu.memref_slice %arg3[%arg1, %dma_wait3A_51, %dma_wait3A_52] : memref<16x158x64xi32, #tpu.memory_space<hbm>> -> memref<1x158x64xi32, #tpu.memory_space<hbm>>
      %dma_wait3A_54 = tpu.memref_squeeze %dma_wait3A_53 : memref<1x158x64xi32, #tpu.memory_space<hbm>> -> memref<158x64xi32, #tpu.memory_space<hbm>>
      tpu.wait_dma2 semaphore(%run_scoped3A : memref<!tpu.dma_semaphore, #tpu.memory_space<semaphore_mem>>) src(%dma_wait3A_54 : memref<158x64xi32, #tpu.memory_space<hbm>>) dst(%arg9 : memref<158x64xi32, #tpu.memory_space<vmem>>)
      tpu.yield
    }) : () -> ()
    "tpu.region"() ({
      %run_scoped3A = tpu.sem_alloc : memref<!tpu.dma_semaphore, #tpu.memory_space<semaphore_mem>>
      %dma_start3A_40 = arith.constant 0 : i32
      %dma_start3A_41 = arith.constant 0 : i32
      %dma_start3A_42 = tpu.memref_slice %arg4[%arg1, %dma_start3A_40, %dma_start3A_41] : memref<16x158x64xi32, #tpu.memory_space<hbm>> -> memref<1x158x64xi32, #tpu.memory_space<hbm>>
      %dma_start3A_43 = tpu.memref_squeeze %dma_start3A_42 : memref<1x158x64xi32, #tpu.memory_space<hbm>> -> memref<158x64xi32, #tpu.memory_space<hbm>>
      %dma_start3A_44 = arith.constant 0 : i32
      %dma_start3A_45 = arith.constant 0 : i32
      %dma_start3A_46 = tpu.memref_slice %arg4[%arg1, %dma_start3A_44, %dma_start3A_45] : memref<16x158x64xi32, #tpu.memory_space<hbm>> -> memref<1x158x64xi32, #tpu.memory_space<hbm>>
      %dma_start3A_47 = tpu.memref_squeeze %dma_start3A_46 : memref<1x158x64xi32, #tpu.memory_space<hbm>> -> memref<158x64xi32, #tpu.memory_space<hbm>>
      tpu.enqueue_dma source(%dma_start3A_47 : memref<158x64xi32, #tpu.memory_space<hbm>>) target(%arg10 : memref<158x64xi32, #tpu.memory_space<vmem>>) target_semaphore(%run_scoped3A : memref<!tpu.dma_semaphore, #tpu.memory_space<semaphore_mem>>)
      %dma_wait3A = arith.constant 0 : i32
      %dma_wait3A_48 = arith.constant 0 : i32
      %dma_wait3A_49 = tpu.memref_slice %arg4[%arg1, %dma_wait3A, %dma_wait3A_48] : memref<16x158x64xi32, #tpu.memory_space<hbm>> -> memref<1x158x64xi32, #tpu.memory_space<hbm>>
      %dma_wait3A_50 = tpu.memref_squeeze %dma_wait3A_49 : memref<1x158x64xi32, #tpu.memory_space<hbm>> -> memref<158x64xi32, #tpu.memory_space<hbm>>
      %dma_wait3A_51 = arith.constant 0 : i32
      %dma_wait3A_52 = arith.constant 0 : i32
      %dma_wait3A_53 = tpu.memref_slice %arg4[%arg1, %dma_wait3A_51, %dma_wait3A_52] : memref<16x158x64xi32, #tpu.memory_space<hbm>> -> memref<1x158x64xi32, #tpu.memory_space<hbm>>
      %dma_wait3A_54 = tpu.memref_squeeze %dma_wait3A_53 : memref<1x158x64xi32, #tpu.memory_space<hbm>> -> memref<158x64xi32, #tpu.memory_space<hbm>>
      tpu.wait_dma2 semaphore(%run_scoped3A : memref<!tpu.dma_semaphore, #tpu.memory_space<semaphore_mem>>) src(%dma_wait3A_54 : memref<158x64xi32, #tpu.memory_space<hbm>>) dst(%arg10 : memref<158x64xi32, #tpu.memory_space<vmem>>)
      tpu.yield
    }) : () -> ()
    "tpu.region"() ({
      %run_scoped3A = tpu.sem_alloc : memref<!tpu.dma_semaphore, #tpu.memory_space<semaphore_mem>>
      tpu.enqueue_dma source(%arg5 : memref<64x8xf32, #tpu.memory_space<hbm>>) target(%arg12 : memref<64x8xf32, #tpu.memory_space<vmem>>) target_semaphore(%run_scoped3A : memref<!tpu.dma_semaphore, #tpu.memory_space<semaphore_mem>>)
      tpu.wait_dma2 semaphore(%run_scoped3A : memref<!tpu.dma_semaphore, #tpu.memory_space<semaphore_mem>>) src(%arg5 : memref<64x8xf32, #tpu.memory_space<hbm>>) dst(%arg12 : memref<64x8xf32, #tpu.memory_space<vmem>>)
      tpu.yield
    }) : () -> ()
    %eq3A = arith.constant 1 : i32
    %eq3A_0 = arith.cmpi eq, %arg0, %eq3A : i32
    %convert_element_type3A = arith.extui %eq3A_0 : i1 to i32
    %cond3A = arith.constant 0 : i32
    %cond3A_1 = arith.cmpi ne, %convert_element_type3A, %cond3A : i32
    scf.if %cond3A_1 {
      %scan3A_40 = arith.constant 0 : i32
      %scan3A_41 = arith.constant 0 : i32
      %scan3A_42 = arith.constant 158 : i32
      %scan3A_43 = arith.addi %scan3A_41, %scan3A_42 : i32
      %scan3A_44 = arith.constant 1 : i32
      scf.for %scan3A_46 = %scan3A_41 to %scan3A_43 step %scan3A_44  : i32 {
        %scan3A_47 = arith.constant 0 : i32
        %scan3A_48 = arith.constant 4 : i32
        %scan3A_49 = arith.addi %scan3A_47, %scan3A_48 : i32
        %scan3A_50 = arith.constant 1 : i32
        scf.for %scan3A_52 = %scan3A_47 to %scan3A_49 step %scan3A_50  : i32 {
          %mul3A_53 = arith.constant 16 : i32
          %mul3A_54 = arith.muli %scan3A_52, %mul3A_53 : i32
          %get3A = arith.index_cast %scan3A_46 : i32 to index
          %get3A_55 = arith.index_cast %mul3A_54 : i32 to index
          %get3A_56 = tpu.vector_load %arg9[%get3A, %get3A_55] {strides = array<i32>} : memref<158x64xi32, #tpu.memory_space<vmem>>, vector<1x16xi32>,
          %get3A_57 = vector.shape_cast %get3A_56 : vector<1x16xi32> to vector<16xi32>
          %add3A_58 = arith.constant 10000 : i32
          %add3A_59 = vector.broadcast %add3A_58 : i32 to vector<16xi32>
          %add3A_60 = arith.addi %get3A_57, %add3A_59 : vector<16xi32>
          %swap3A = arith.index_cast %scan3A_46 : i32 to index
          %swap3A_61 = arith.index_cast %mul3A_54 : i32 to index
          %swap3A_62 = tpu.vector_load %arg9[%swap3A, %swap3A_61] {strides = array<i32>} : memref<158x64xi32, #tpu.memory_space<vmem>>, vector<1x16xi32>,
          %swap3A_63 = vector.shape_cast %swap3A_62 : vector<1x16xi32> to vector<16xi32>
          %swap3A_64 = vector.shape_cast %add3A_60 : vector<16xi32> to vector<1x16xi32>
          tpu.vector_store %arg9[%swap3A, %swap3A_61], %swap3A_64 {strides = array<i32>} : memref<158x64xi32, #tpu.memory_space<vmem>>, vector<1x16xi32>,
        }
        %scan3A_51 = arith.constant 4 : i32
      }
      %scan3A_45 = arith.constant 158 : i32
    } else {
    }
    %mul3A = arith.constant 640 : i32
    %mul3A_2 = arith.muli %arg1, %mul3A : i32
    %scan3A = arith.constant 0 : i32
    %scan3A_3 = arith.constant 0 : i32
    %scan3A_4 = arith.constant 64 : i32
    %scan3A_5 = arith.addi %scan3A_3, %scan3A_4 : i32
    %scan3A_6 = arith.constant 1 : i32
    scf.for %scan3A_40 = %scan3A_3 to %scan3A_5 step %scan3A_6  : i32 {
      %scan3A_41 = arith.constant 0 : i32
      %scan3A_42 = arith.constant 8 : i32
      %scan3A_43 = arith.addi %scan3A_41, %scan3A_42 : i32
      %scan3A_44 = arith.constant 1 : i32
      scf.for %scan3A_46 = %scan3A_41 to %scan3A_43 step %scan3A_44  : i32 {
        %broadcast_in_dim3A = arith.constant 0.000000e+00 : f32
        %broadcast_in_dim3A_47 = vector.broadcast %broadcast_in_dim3A : f32 to vector<16xf32>
        %mul3A_48 = arith.constant 16 : i32
        %mul3A_49 = arith.muli %scan3A_46, %mul3A_48 : i32
        %swap3A = arith.constant 0 : i32
        %swap3A_50 = arith.index_cast %swap3A : i32 to index
        %swap3A_51 = arith.index_cast %scan3A_40 : i32 to index
        %swap3A_52 = arith.index_cast %mul3A_49 : i32 to index
        %swap3A_53 = tpu.vector_load %arg11[%swap3A_50, %swap3A_51, %swap3A_52] {strides = array<i32>} : memref<2x64x128xf32, #tpu.memory_space<vmem>>, vector<1x1x16xf32>,
        %swap3A_54 = vector.shape_cast %swap3A_53 : vector<1x1x16xf32> to vector<16xf32>
        %swap3A_55 = vector.shape_cast %broadcast_in_dim3A_47 : vector<16xf32> to vector<1x1x16xf32>
        tpu.vector_store %arg11[%swap3A_50, %swap3A_51, %swap3A_52], %swap3A_55 {strides = array<i32>} : memref<2x64x128xf32, #tpu.memory_space<vmem>>, vector<1x1x16xf32>,
      }
      %scan3A_45 = arith.constant 8 : i32
    }
    %scan3A_7 = arith.constant 64 : i32
    %scan3A_8 = arith.constant 0 : i32
    %scan3A_9 = arith.constant 0 : i32
    %scan3A_10 = arith.constant 10 : i32
    %scan3A_11 = arith.addi %scan3A_9, %scan3A_10 : i32
    %scan3A_12 = arith.constant 1 : i32
    scf.for %scan3A_40 = %scan3A_9 to %scan3A_11 step %scan3A_12  : i32 {
      %mul3A_41 = arith.constant 64 : i32
      %mul3A_42 = arith.muli %scan3A_40, %mul3A_41 : i32
      %add3A_43 = arith.addi %mul3A_2, %mul3A_42 : i32
      %run_scoped3A = arith.constant 0 : i32
      "tpu.region"() ({
        %run_scoped3A_44 = tpu.sem_alloc : memref<!tpu.dma_semaphore, #tpu.memory_space<semaphore_mem>>
        %dma_start3A_45 = arith.constant 0 : i32
        %dma_start3A_46 = arith.constant 0 : i32
        %dma_start3A_47 = tpu.memref_slice %arg11[%run_scoped3A, %dma_start3A_45, %dma_start3A_46] : memref<2x64x128xf32, #tpu.memory_space<vmem>> -> memref<1x64x128xf32, #tpu.memory_space<vmem>>
        %dma_start3A_48 = tpu.memref_squeeze %dma_start3A_47 : memref<1x64x128xf32, #tpu.memory_space<vmem>> -> memref<64x128xf32, #tpu.memory_space<vmem>>
        %dma_start3A_49 = arith.constant 0 : i32
        %dma_start3A_50 = tpu.memref_slice %arg13[%add3A_43, %dma_start3A_49] : memref<10240x128xf32, #tpu.memory_space<vmem_shared>> -> memref<64x128xf32, #tpu.memory_space<vmem_shared>>
        %dma_start3A_51 = arith.constant 0 : i32
        %dma_start3A_52 = tpu.memref_slice %arg13[%add3A_43, %dma_start3A_51] : memref<10240x128xf32, #tpu.memory_space<vmem_shared>> -> memref<64x128xf32, #tpu.memory_space<vmem_shared>>
        %dma_start3A_53 = arith.constant 0 : i32
        %dma_start3A_54 = arith.constant 0 : i32
        %dma_start3A_55 = tpu.memref_slice %arg11[%run_scoped3A, %dma_start3A_53, %dma_start3A_54] : memref<2x64x128xf32, #tpu.memory_space<vmem>> -> memref<1x64x128xf32, #tpu.memory_space<vmem>>
        %dma_start3A_56 = tpu.memref_squeeze %dma_start3A_55 : memref<1x64x128xf32, #tpu.memory_space<vmem>> -> memref<64x128xf32, #tpu.memory_space<vmem>>
        tpu.enqueue_dma source(%dma_start3A_56 : memref<64x128xf32, #tpu.memory_space<vmem>>) target(%dma_start3A_52 : memref<64x128xf32, #tpu.memory_space<vmem_shared>>) target_semaphore(%run_scoped3A_44 : memref<!tpu.dma_semaphore, #tpu.memory_space<semaphore_mem>>)
        %dma_wait3A = arith.constant 0 : i32
        %dma_wait3A_57 = arith.constant 0 : i32
        %dma_wait3A_58 = tpu.memref_slice %arg11[%run_scoped3A, %dma_wait3A, %dma_wait3A_57] : memref<2x64x128xf32, #tpu.memory_space<vmem>> -> memref<1x64x128xf32, #tpu.memory_space<vmem>>
        %dma_wait3A_59 = tpu.memref_squeeze %dma_wait3A_58 : memref<1x64x128xf32, #tpu.memory_space<vmem>> -> memref<64x128xf32, #tpu.memory_space<vmem>>
        %dma_wait3A_60 = arith.constant 0 : i32
        %dma_wait3A_61 = tpu.memref_slice %arg13[%add3A_43, %dma_wait3A_60] : memref<10240x128xf32, #tpu.memory_space<vmem_shared>> -> memref<64x128xf32, #tpu.memory_space<vmem_shared>>
        %dma_wait3A_62 = arith.constant 0 : i32
        %dma_wait3A_63 = tpu.memref_slice %arg13[%add3A_43, %dma_wait3A_62] : memref<10240x128xf32, #tpu.memory_space<vmem_shared>> -> memref<64x128xf32, #tpu.memory_space<vmem_shared>>
        %dma_wait3A_64 = arith.constant 0 : i32
        %dma_wait3A_65 = arith.constant 0 : i32
        %dma_wait3A_66 = tpu.memref_slice %arg11[%run_scoped3A, %dma_wait3A_64, %dma_wait3A_65] : memref<2x64x128xf32, #tpu.memory_space<vmem>> -> memref<1x64x128xf32, #tpu.memory_space<vmem>>
        %dma_wait3A_67 = tpu.memref_squeeze %dma_wait3A_66 : memref<1x64x128xf32, #tpu.memory_space<vmem>> -> memref<64x128xf32, #tpu.memory_space<vmem>>
        tpu.wait_dma2 semaphore(%run_scoped3A_44 : memref<!tpu.dma_semaphore, #tpu.memory_space<semaphore_mem>>) src(%dma_wait3A_67 : memref<64x128xf32, #tpu.memory_space<vmem>>) dst(%dma_wait3A_63 : memref<64x128xf32, #tpu.memory_space<vmem_shared>>)
        tpu.yield
      }) : () -> ()
    }
    %scan3A_13 = arith.constant 10 : i32
    "tpu.region"() ({
      %run_scoped3A = tpu.sem_alloc : memref<!tpu.dma_semaphore, #tpu.memory_space<semaphore_mem>>
      %dma_start3A_40 = arith.constant 0 : i32
      %dma_start3A_41 = tpu.memref_slice %arg14[%mul3A_2, %dma_start3A_40] : memref<10240x8xf32, #tpu.memory_space<vmem_shared>> -> memref<640x8xf32, #tpu.memory_space<vmem_shared>>
      tpu.enqueue_dma source(%arg6 : memref<640x8xf32, #tpu.memory_space<hbm>>) target(%dma_start3A_41 : memref<640x8xf32, #tpu.memory_space<vmem_shared>>) target_semaphore(%run_scoped3A : memref<!tpu.dma_semaphore, #tpu.memory_space<semaphore_mem>>)
      %dma_wait3A = arith.constant 0 : i32
      %dma_wait3A_42 = tpu.memref_slice %arg14[%mul3A_2, %dma_wait3A] : memref<10240x8xf32, #tpu.memory_space<vmem_shared>> -> memref<640x8xf32, #tpu.memory_space<vmem_shared>>
      tpu.wait_dma2 semaphore(%run_scoped3A : memref<!tpu.dma_semaphore, #tpu.memory_space<semaphore_mem>>) src(%arg6 : memref<640x8xf32, #tpu.memory_space<hbm>>) dst(%dma_wait3A_42 : memref<640x8xf32, #tpu.memory_space<vmem_shared>>)
      tpu.yield
    }) : () -> ()
    %barrier3A = arith.constant 0 : index
    tpu.barrier barrier_id(%barrier3A)
    %dma_start3A = arith.constant 0 : i32
    %dma_start3A_14 = arith.constant 0 : i32
    %dma_start3A_15 = arith.constant 0 : i32
    %dma_start3A_16 = arith.constant 0 : i32
    %dma_start3A_17 = tpu.memref_slice %arg11[%dma_start3A_14, %dma_start3A_15, %dma_start3A_16] : memref<2x64x128xf32, #tpu.memory_space<vmem>> -> memref<1x64x128xf32, #tpu.memory_space<vmem>>
    %dma_start3A_18 = tpu.memref_squeeze %dma_start3A_17 : memref<1x64x128xf32, #tpu.memory_space<vmem>> -> memref<64x128xf32, #tpu.memory_space<vmem>>
    %dma_start3A_19 = arith.constant 0 : i32
    %dma_start3A_20 = tpu.memref_slice %arg9[%dma_start3A, %dma_start3A_19] : memref<158x64xi32, #tpu.memory_space<vmem>> -> memref<1x64xi32, #tpu.memory_space<vmem>>
    %dma_start3A_21 = tpu.memref_squeeze %dma_start3A_20 : memref<1x64xi32, #tpu.memory_space<vmem>> -> memref<64xi32, #tpu.memory_space<vmem>>
    %dma_start3A_22 = arith.constant 0 : i32
    %dma_start3A_23 = arith.constant 0 : i32
    %dma_start3A_24 = tpu.memref_slice %arg2[%dma_start3A_22, %dma_start3A_23] : memref<20000x128xf32, #tpu.memory_space<hbm>> -> memref<20000x128xf32, #tpu.memory_space<hbm>>
    tpu.enqueue_indirect_dma source(%dma_start3A_24 : memref<20000x128xf32, #tpu.memory_space<hbm>>) target(%dma_start3A_18 : memref<64x128xf32, #tpu.memory_space<vmem>>) offsets(%dma_start3A_21 : memref<64xi32, #tpu.memory_space<vmem>>) semaphore(%arg15 : memref<!tpu.dma_semaphore, #tpu.memory_space<semaphore_mem>>)
    %scan3A_25 = arith.constant 0 : i32
    %scan3A_26 = arith.constant 0 : i32
    %scan3A_27 = arith.constant 158 : i32
    %scan3A_28 = arith.addi %scan3A_26, %scan3A_27 : i32
    %scan3A_29 = arith.constant 1 : i32
    scf.for %scan3A_40 = %scan3A_26 to %scan3A_28 step %scan3A_29  : i32 {
      %rem3A = arith.constant 2 : i32
      %rem3A_41 = arith.remsi %scan3A_40, %rem3A : i32
      %dma_wait3A = arith.constant 0 : i32
      %dma_wait3A_42 = arith.constant 0 : i32
      %dma_wait3A_43 = tpu.memref_slice %arg11[%rem3A_41, %dma_wait3A, %dma_wait3A_42] : memref<2x64x128xf32, #tpu.memory_space<vmem>> -> memref<1x64x128xf32, #tpu.memory_space<vmem>>
      %dma_wait3A_44 = tpu.memref_squeeze %dma_wait3A_43 : memref<1x64x128xf32, #tpu.memory_space<vmem>> -> memref<64x128xf32, #tpu.memory_space<vmem>>
      %dma_wait3A_45 = arith.constant 0 : i32
      %dma_wait3A_46 = tpu.memref_slice %arg9[%scan3A_40, %dma_wait3A_45] : memref<158x64xi32, #tpu.memory_space<vmem>> -> memref<1x64xi32, #tpu.memory_space<vmem>>
      %dma_wait3A_47 = tpu.memref_squeeze %dma_wait3A_46 : memref<1x64xi32, #tpu.memory_space<vmem>> -> memref<64xi32, #tpu.memory_space<vmem>>
      %dma_wait3A_48 = arith.constant 0 : i32
      %dma_wait3A_49 = arith.constant 0 : i32
      %dma_wait3A_50 = tpu.memref_slice %arg2[%dma_wait3A_48, %dma_wait3A_49] : memref<20000x128xf32, #tpu.memory_space<hbm>> -> memref<20000x128xf32, #tpu.memory_space<hbm>>
      tpu.wait_indirect_dma semaphore(%arg15 : memref<!tpu.dma_semaphore, #tpu.memory_space<semaphore_mem>>) src(%dma_wait3A_50 : memref<20000x128xf32, #tpu.memory_space<hbm>>) dst(%dma_wait3A_44 : memref<64x128xf32, #tpu.memory_space<vmem>>)
      %add3A_51 = arith.constant 1 : i32
      %add3A_52 = arith.addi %scan3A_40, %add3A_51 : i32
      %lt3A = arith.constant 158 : i32
      %lt3A_53 = arith.cmpi slt, %add3A_52, %lt3A : i32
      %convert_element_type3A_54 = arith.extui %lt3A_53 : i1 to i32
      %cond3A_55 = arith.constant 0 : i32
      %cond3A_56 = arith.cmpi ne, %convert_element_type3A_54, %cond3A_55 : i32
      scf.if %cond3A_56 {
        %add3A_62 = arith.constant 1 : i32
        %add3A_63 = arith.addi %scan3A_40, %add3A_62 : i32
        %sub3A = arith.constant 1 : i32
        %sub3A_64 = arith.subi %sub3A, %rem3A_41 : i32
        %dma_start3A_65 = arith.constant 0 : i32
        %dma_start3A_66 = arith.constant 0 : i32
        %dma_start3A_67 = tpu.memref_slice %arg11[%sub3A_64, %dma_start3A_65, %dma_start3A_66] : memref<2x64x128xf32, #tpu.memory_space<vmem>> -> memref<1x64x128xf32, #tpu.memory_space<vmem>>
        %dma_start3A_68 = tpu.memref_squeeze %dma_start3A_67 : memref<1x64x128xf32, #tpu.memory_space<vmem>> -> memref<64x128xf32, #tpu.memory_space<vmem>>
        %dma_start3A_69 = arith.constant 0 : i32
        %dma_start3A_70 = tpu.memref_slice %arg9[%add3A_63, %dma_start3A_69] : memref<158x64xi32, #tpu.memory_space<vmem>> -> memref<1x64xi32, #tpu.memory_space<vmem>>
        %dma_start3A_71 = tpu.memref_squeeze %dma_start3A_70 : memref<1x64xi32, #tpu.memory_space<vmem>> -> memref<64xi32, #tpu.memory_space<vmem>>
        %dma_start3A_72 = arith.constant 0 : i32
        %dma_start3A_73 = arith.constant 0 : i32
        %dma_start3A_74 = tpu.memref_slice %arg2[%dma_start3A_72, %dma_start3A_73] : memref<20000x128xf32, #tpu.memory_space<hbm>> -> memref<20000x128xf32, #tpu.memory_space<hbm>>
        tpu.enqueue_indirect_dma source(%dma_start3A_74 : memref<20000x128xf32, #tpu.memory_space<hbm>>) target(%dma_start3A_68 : memref<64x128xf32, #tpu.memory_space<vmem>>) offsets(%dma_start3A_71 : memref<64xi32, #tpu.memory_space<vmem>>) semaphore(%arg15 : memref<!tpu.dma_semaphore, #tpu.memory_space<semaphore_mem>>)
      } else {
      }
      "tpu.region"() ({
        %run_scoped3A = tpu.sem_alloc : memref<!tpu.dma_semaphore, #tpu.memory_space<semaphore_mem>>
        %dma_start3A_62 = arith.constant 0 : i32
        %dma_start3A_63 = arith.constant 0 : i32
        %dma_start3A_64 = tpu.memref_slice %arg11[%rem3A_41, %dma_start3A_62, %dma_start3A_63] : memref<2x64x128xf32, #tpu.memory_space<vmem>> -> memref<1x64x128xf32, #tpu.memory_space<vmem>>
        %dma_start3A_65 = tpu.memref_squeeze %dma_start3A_64 : memref<1x64x128xf32, #tpu.memory_space<vmem>> -> memref<64x128xf32, #tpu.memory_space<vmem>>
        %dma_start3A_66 = arith.constant 0 : i32
        %dma_start3A_67 = tpu.memref_slice %arg10[%scan3A_40, %dma_start3A_66] : memref<158x64xi32, #tpu.memory_space<vmem>> -> memref<1x64xi32, #tpu.memory_space<vmem>>
        %dma_start3A_68 = tpu.memref_squeeze %dma_start3A_67 : memref<1x64xi32, #tpu.memory_space<vmem>> -> memref<64xi32, #tpu.memory_space<vmem>>
        %dma_start3A_69 = arith.constant 0 : i32
        %dma_start3A_70 = arith.constant 0 : i32
        %dma_start3A_71 = tpu.memref_slice %arg13[%dma_start3A_69, %dma_start3A_70] : memref<10240x128xf32, #tpu.memory_space<vmem_shared>> -> memref<10240x128xf32, #tpu.memory_space<vmem_shared>>
        tpu.enqueue_indirect_dma source(%dma_start3A_65 : memref<64x128xf32, #tpu.memory_space<vmem>>) target(%dma_start3A_71 : memref<10240x128xf32, #tpu.memory_space<vmem_shared>>) offsets(%dma_start3A_68 : memref<64xi32, #tpu.memory_space<vmem>>) semaphore(%run_scoped3A : memref<!tpu.dma_semaphore, #tpu.memory_space<semaphore_mem>>) {add = true}
        %dma_wait3A_72 = arith.constant 0 : i32
        %dma_wait3A_73 = arith.constant 0 : i32
        %dma_wait3A_74 = tpu.memref_slice %arg11[%rem3A_41, %dma_wait3A_72, %dma_wait3A_73] : memref<2x64x128xf32, #tpu.memory_space<vmem>> -> memref<1x64x128xf32, #tpu.memory_space<vmem>>
        %dma_wait3A_75 = tpu.memref_squeeze %dma_wait3A_74 : memref<1x64x128xf32, #tpu.memory_space<vmem>> -> memref<64x128xf32, #tpu.memory_space<vmem>>
        %dma_wait3A_76 = arith.constant 0 : i32
        %dma_wait3A_77 = tpu.memref_slice %arg10[%scan3A_40, %dma_wait3A_76] : memref<158x64xi32, #tpu.memory_space<vmem>> -> memref<1x64xi32, #tpu.memory_space<vmem>>
        %dma_wait3A_78 = tpu.memref_squeeze %dma_wait3A_77 : memref<1x64xi32, #tpu.memory_space<vmem>> -> memref<64xi32, #tpu.memory_space<vmem>>
        %dma_wait3A_79 = arith.constant 0 : i32
        %dma_wait3A_80 = arith.constant 0 : i32
        %dma_wait3A_81 = tpu.memref_slice %arg13[%dma_wait3A_79, %dma_wait3A_80] : memref<10240x128xf32, #tpu.memory_space<vmem_shared>> -> memref<10240x128xf32, #tpu.memory_space<vmem_shared>>
        tpu.wait_indirect_dma semaphore(%run_scoped3A : memref<!tpu.dma_semaphore, #tpu.memory_space<semaphore_mem>>) src(%dma_wait3A_75 : memref<64x128xf32, #tpu.memory_space<vmem>>) dst(%dma_wait3A_81 : memref<10240x128xf32, #tpu.memory_space<vmem_shared>>)
        tpu.yield
      }) : () -> ()
      %eq3A_57 = arith.constant 0 : i32
      %eq3A_58 = arith.cmpi eq, %arg0, %eq3A_57 : i32
      %convert_element_type3A_59 = arith.extui %eq3A_58 : i1 to i32
      %cond3A_60 = arith.constant 0 : i32
      %cond3A_61 = arith.cmpi ne, %convert_element_type3A_59, %cond3A_60 : i32
      scf.if %cond3A_61 {
        "tpu.region"() ({
          %run_scoped3A = tpu.sem_alloc : memref<!tpu.dma_semaphore, #tpu.memory_space<semaphore_mem>>
          %dma_start3A_62 = arith.constant 0 : i32
          %dma_start3A_63 = tpu.memref_slice %arg10[%scan3A_40, %dma_start3A_62] : memref<158x64xi32, #tpu.memory_space<vmem>> -> memref<1x64xi32, #tpu.memory_space<vmem>>
          %dma_start3A_64 = tpu.memref_squeeze %dma_start3A_63 : memref<1x64xi32, #tpu.memory_space<vmem>> -> memref<64xi32, #tpu.memory_space<vmem>>
          %dma_start3A_65 = arith.constant 0 : i32
          %dma_start3A_66 = arith.constant 0 : i32
          %dma_start3A_67 = tpu.memref_slice %arg14[%dma_start3A_65, %dma_start3A_66] : memref<10240x8xf32, #tpu.memory_space<vmem_shared>> -> memref<10240x8xf32, #tpu.memory_space<vmem_shared>>
          tpu.enqueue_indirect_dma source(%arg12 : memref<64x8xf32, #tpu.memory_space<vmem>>) target(%dma_start3A_67 : memref<10240x8xf32, #tpu.memory_space<vmem_shared>>) offsets(%dma_start3A_64 : memref<64xi32, #tpu.memory_space<vmem>>) semaphore(%run_scoped3A : memref<!tpu.dma_semaphore, #tpu.memory_space<semaphore_mem>>) {add = true}
          %dma_wait3A_68 = arith.constant 0 : i32
          %dma_wait3A_69 = tpu.memref_slice %arg10[%scan3A_40, %dma_wait3A_68] : memref<158x64xi32, #tpu.memory_space<vmem>> -> memref<1x64xi32, #tpu.memory_space<vmem>>
          %dma_wait3A_70 = tpu.memref_squeeze %dma_wait3A_69 : memref<1x64xi32, #tpu.memory_space<vmem>> -> memref<64xi32, #tpu.memory_space<vmem>>
          %dma_wait3A_71 = arith.constant 0 : i32
          %dma_wait3A_72 = arith.constant 0 : i32
          %dma_wait3A_73 = tpu.memref_slice %arg14[%dma_wait3A_71, %dma_wait3A_72] : memref<10240x8xf32, #tpu.memory_space<vmem_shared>> -> memref<10240x8xf32, #tpu.memory_space<vmem_shared>>
          tpu.wait_indirect_dma semaphore(%run_scoped3A : memref<!tpu.dma_semaphore, #tpu.memory_space<semaphore_mem>>) src(%arg12 : memref<64x8xf32, #tpu.memory_space<vmem>>) dst(%dma_wait3A_73 : memref<10240x8xf32, #tpu.memory_space<vmem_shared>>)
          tpu.yield
        }) : () -> ()
      } else {
      }
    }
    %scan3A_30 = arith.constant 158 : i32
    %barrier3A_31 = arith.constant 0 : index
    tpu.barrier barrier_id(%barrier3A_31)
    %mul3A_32 = arith.constant 1 : i32
    %mul3A_33 = arith.muli %mul3A_32, %arg0 : i32
    %add3A = arith.constant 0 : i32
    %add3A_34 = arith.addi %mul3A_33, %add3A : i32
    "tpu.region"() ({
      %run_scoped3A = tpu.sem_alloc : memref<!tpu.dma_semaphore, #tpu.memory_space<semaphore_mem>>
      %dma_start3A_40 = arith.constant 0 : i32
      %dma_start3A_41 = tpu.memref_slice %arg7[%add3A_34, %mul3A_2, %dma_start3A_40] : memref<2x10240x128xf32, #tpu.memory_space<hbm>> -> memref<1x640x128xf32, #tpu.memory_space<hbm>>
      %dma_start3A_42 = tpu.memref_squeeze %dma_start3A_41 : memref<1x640x128xf32, #tpu.memory_space<hbm>> -> memref<640x128xf32, #tpu.memory_space<hbm>>
      %dma_start3A_43 = arith.constant 0 : i32
      %dma_start3A_44 = tpu.memref_slice %arg13[%mul3A_2, %dma_start3A_43] : memref<10240x128xf32, #tpu.memory_space<vmem_shared>> -> memref<640x128xf32, #tpu.memory_space<vmem_shared>>
      tpu.enqueue_dma source(%dma_start3A_44 : memref<640x128xf32, #tpu.memory_space<vmem_shared>>) target(%dma_start3A_42 : memref<640x128xf32, #tpu.memory_space<hbm>>) target_semaphore(%run_scoped3A : memref<!tpu.dma_semaphore, #tpu.memory_space<semaphore_mem>>)
      %dma_wait3A = arith.constant 0 : i32
      %dma_wait3A_45 = tpu.memref_slice %arg7[%add3A_34, %mul3A_2, %dma_wait3A] : memref<2x10240x128xf32, #tpu.memory_space<hbm>> -> memref<1x640x128xf32, #tpu.memory_space<hbm>>
      %dma_wait3A_46 = tpu.memref_squeeze %dma_wait3A_45 : memref<1x640x128xf32, #tpu.memory_space<hbm>> -> memref<640x128xf32, #tpu.memory_space<hbm>>
      %dma_wait3A_47 = arith.constant 0 : i32
      %dma_wait3A_48 = tpu.memref_slice %arg13[%mul3A_2, %dma_wait3A_47] : memref<10240x128xf32, #tpu.memory_space<vmem_shared>> -> memref<640x128xf32, #tpu.memory_space<vmem_shared>>
      tpu.wait_dma2 semaphore(%run_scoped3A : memref<!tpu.dma_semaphore, #tpu.memory_space<semaphore_mem>>) src(%dma_wait3A_48 : memref<640x128xf32, #tpu.memory_space<vmem_shared>>) dst(%dma_wait3A_46 : memref<640x128xf32, #tpu.memory_space<hbm>>)
      tpu.yield
    }) : () -> ()
    %eq3A_35 = arith.constant 0 : i32
    %eq3A_36 = arith.cmpi eq, %arg0, %eq3A_35 : i32
    %convert_element_type3A_37 = arith.extui %eq3A_36 : i1 to i32
    %cond3A_38 = arith.constant 0 : i32
    %cond3A_39 = arith.cmpi ne, %convert_element_type3A_37, %cond3A_38 : i32
    scf.if %cond3A_39 {
      "tpu.region"() ({
        %run_scoped3A = tpu.sem_alloc : memref<!tpu.dma_semaphore, #tpu.memory_space<semaphore_mem>>
        %dma_start3A_40 = arith.constant 0 : i32
        %dma_start3A_41 = tpu.memref_slice %arg8[%mul3A_2, %dma_start3A_40] : memref<10240x8xf32, #tpu.memory_space<hbm>> -> memref<640x8xf32, #tpu.memory_space<hbm>>
        %dma_start3A_42 = arith.constant 0 : i32
        %dma_start3A_43 = tpu.memref_slice %arg14[%mul3A_2, %dma_start3A_42] : memref<10240x8xf32, #tpu.memory_space<vmem_shared>> -> memref<640x8xf32, #tpu.memory_space<vmem_shared>>
        tpu.enqueue_dma source(%dma_start3A_43 : memref<640x8xf32, #tpu.memory_space<vmem_shared>>) target(%dma_start3A_41 : memref<640x8xf32, #tpu.memory_space<hbm>>) target_semaphore(%run_scoped3A : memref<!tpu.dma_semaphore, #tpu.memory_space<semaphore_mem>>)
        %dma_wait3A = arith.constant 0 : i32
        %dma_wait3A_44 = tpu.memref_slice %arg8[%mul3A_2, %dma_wait3A] : memref<10240x8xf32, #tpu.memory_space<hbm>> -> memref<640x8xf32, #tpu.memory_space<hbm>>
        %dma_wait3A_45 = arith.constant 0 : i32
        %dma_wait3A_46 = tpu.memref_slice %arg14[%mul3A_2, %dma_wait3A_45] : memref<10240x8xf32, #tpu.memory_space<vmem_shared>> -> memref<640x8xf32, #tpu.memory_space<vmem_shared>>
        tpu.wait_dma2 semaphore(%run_scoped3A : memref<!tpu.dma_semaphore, #tpu.memory_space<semaphore_mem>>) src(%dma_wait3A_46 : memref<640x8xf32, #tpu.memory_space<vmem_shared>>) dst(%dma_wait3A_44 : memref<640x8xf32, #tpu.memory_space<hbm>>)
        tpu.yield
      }) : () -> ()
    } else {
    }
    return
  }
}

#map = affine_map<(d0, d1) -> (0, 0)>
#map1 = affine_map<(d0, d1) -> (0, 0, 0)>
module attributes {stable_mosaic.version = 14 : i64} {
  func.func @k(%arg0: i32, %arg1: i32, %arg2: memref<20000x128xf32, #tpu.memory_space<hbm>>, %arg3: memref<16x158x64xi32, #tpu.memory_space<hbm>>, %arg4: memref<16x158x64xi32, #tpu.memory_space<hbm>>, %arg5: memref<64x8xf32, #tpu.memory_space<hbm>>, %arg6: memref<640x8xf32, #tpu.memory_space<hbm>>, %arg7: memref<2x10240x128xf32, #tpu.memory_space<hbm>>, %arg8: memref<10240x8xf32, #tpu.memory_space<hbm>>, %arg9: memref<158x64xi32, #tpu.memory_space<vmem>>, %arg10: memref<158x64xi32, #tpu.memory_space<vmem>>, %arg11: memref<2x64x128xf32, #tpu.memory_space<vmem>>, %arg12: memref<64x8xf32, #tpu.memory_space<vmem>>, %arg13: memref<10240x128xf32, #tpu.memory_space<vmem_shared>>, %arg14: memref<10240x8xf32, #tpu.memory_space<vmem_shared>>, %arg15: memref<!tpu.dma_semaphore, #tpu.memory_space<semaphore_mem>>) attributes {dimension_semantics = [#tpu.dimension_semantics<core_parallel>, #tpu.dimension_semantics<subcore_parallel>], iteration_bounds = array<i64: 2, 16>, scalar_prefetch = 0 : i64, scratch_operands = 7 : i64, tpu.core_type = #tpu.core_type<sc_vector_subcore>, window_params = [{transform_indices = #map}, {transform_indices = #map1}, {transform_indices = #map1}, {transform_indices = #map}, {transform_indices = #map}, {transform_indices = #map1}, {transform_indices = #map}]} {
    "tpu.region"() ({
      %run_scoped3A = tpu.sem_alloc : memref<!tpu.dma_semaphore, #tpu.memory_space<semaphore_mem>>
      %dma_start3A_40 = arith.constant 0 : i32
      %dma_start3A_41 = arith.constant 0 : i32
      %dma_start3A_42 = tpu.memref_slice %arg3[%arg1, %dma_start3A_40, %dma_start3A_41] : memref<16x158x64xi32, #tpu.memory_space<hbm>> -> memref<1x158x64xi32, #tpu.memory_space<hbm>>
      %dma_start3A_43 = tpu.memref_squeeze %dma_start3A_42 : memref<1x158x64xi32, #tpu.memory_space<hbm>> -> memref<158x64xi32, #tpu.memory_space<hbm>>
      %dma_start3A_44 = arith.constant 0 : i32
      %dma_start3A_45 = arith.constant 0 : i32
      %dma_start3A_46 = tpu.memref_slice %arg3[%arg1, %dma_start3A_44, %dma_start3A_45] : memref<16x158x64xi32, #tpu.memory_space<hbm>> -> memref<1x158x64xi32, #tpu.memory_space<hbm>>
      %dma_start3A_47 = tpu.memref_squeeze %dma_start3A_46 : memref<1x158x64xi32, #tpu.memory_space<hbm>> -> memref<158x64xi32, #tpu.memory_space<hbm>>
      tpu.enqueue_dma source(%dma_start3A_47 : memref<158x64xi32, #tpu.memory_space<hbm>>) target(%arg9 : memref<158x64xi32, #tpu.memory_space<vmem>>) target_semaphore(%run_scoped3A : memref<!tpu.dma_semaphore, #tpu.memory_space<semaphore_mem>>)
      %dma_wait3A = arith.constant 0 : i32
      %dma_wait3A_48 = arith.constant 0 : i32
      %dma_wait3A_49 = tpu.memref_slice %arg3[%arg1, %dma_wait3A, %dma_wait3A_48] : memref<16x158x64xi32, #tpu.memory_space<hbm>> -> memref<1x158x64xi32, #tpu.memory_space<hbm>>
      %dma_wait3A_50 = tpu.memref_squeeze %dma_wait3A_49 : memref<1x158x64xi32, #tpu.memory_space<hbm>> -> memref<158x64xi32, #tpu.memory_space<hbm>>
      %dma_wait3A_51 = arith.constant 0 : i32
      %dma_wait3A_52 = arith.constant 0 : i32
      %dma_wait3A_53 = tpu.memref_slice %arg3[%arg1, %dma_wait3A_51, %dma_wait3A_52] : memref<16x158x64xi32, #tpu.memory_space<hbm>> -> memref<1x158x64xi32, #tpu.memory_space<hbm>>
      %dma_wait3A_54 = tpu.memref_squeeze %dma_wait3A_53 : memref<1x158x64xi32, #tpu.memory_space<hbm>> -> memref<158x64xi32, #tpu.memory_space<hbm>>
      tpu.wait_dma2 semaphore(%run_scoped3A : memref<!tpu.dma_semaphore, #tpu.memory_space<semaphore_mem>>) src(%dma_wait3A_54 : memref<158x64xi32, #tpu.memory_space<hbm>>) dst(%arg9 : memref<158x64xi32, #tpu.memory_space<vmem>>)
      tpu.yield
    }) : () -> ()
    "tpu.region"() ({
      %run_scoped3A = tpu.sem_alloc : memref<!tpu.dma_semaphore, #tpu.memory_space<semaphore_mem>>
      %dma_start3A_40 = arith.constant 0 : i32
      %dma_start3A_41 = arith.constant 0 : i32
      %dma_start3A_42 = tpu.memref_slice %arg4[%arg1, %dma_start3A_40, %dma_start3A_41] : memref<16x158x64xi32, #tpu.memory_space<hbm>> -> memref<1x158x64xi32, #tpu.memory_space<hbm>>
      %dma_start3A_43 = tpu.memref_squeeze %dma_start3A_42 : memref<1x158x64xi32, #tpu.memory_space<hbm>> -> memref<158x64xi32, #tpu.memory_space<hbm>>
      %dma_start3A_44 = arith.constant 0 : i32
      %dma_start3A_45 = arith.constant 0 : i32
      %dma_start3A_46 = tpu.memref_slice %arg4[%arg1, %dma_start3A_44, %dma_start3A_45] : memref<16x158x64xi32, #tpu.memory_space<hbm>> -> memref<1x158x64xi32, #tpu.memory_space<hbm>>
      %dma_start3A_47 = tpu.memref_squeeze %dma_start3A_46 : memref<1x158x64xi32, #tpu.memory_space<hbm>> -> memref<158x64xi32, #tpu.memory_space<hbm>>
      tpu.enqueue_dma source(%dma_start3A_47 : memref<158x64xi32, #tpu.memory_space<hbm>>) target(%arg10 : memref<158x64xi32, #tpu.memory_space<vmem>>) target_semaphore(%run_scoped3A : memref<!tpu.dma_semaphore, #tpu.memory_space<semaphore_mem>>)
      %dma_wait3A = arith.constant 0 : i32
      %dma_wait3A_48 = arith.constant 0 : i32
      %dma_wait3A_49 = tpu.memref_slice %arg4[%arg1, %dma_wait3A, %dma_wait3A_48] : memref<16x158x64xi32, #tpu.memory_space<hbm>> -> memref<1x158x64xi32, #tpu.memory_space<hbm>>
      %dma_wait3A_50 = tpu.memref_squeeze %dma_wait3A_49 : memref<1x158x64xi32, #tpu.memory_space<hbm>> -> memref<158x64xi32, #tpu.memory_space<hbm>>
      %dma_wait3A_51 = arith.constant 0 : i32
      %dma_wait3A_52 = arith.constant 0 : i32
      %dma_wait3A_53 = tpu.memref_slice %arg4[%arg1, %dma_wait3A_51, %dma_wait3A_52] : memref<16x158x64xi32, #tpu.memory_space<hbm>> -> memref<1x158x64xi32, #tpu.memory_space<hbm>>
      %dma_wait3A_54 = tpu.memref_squeeze %dma_wait3A_53 : memref<1x158x64xi32, #tpu.memory_space<hbm>> -> memref<158x64xi32, #tpu.memory_space<hbm>>
      tpu.wait_dma2 semaphore(%run_scoped3A : memref<!tpu.dma_semaphore, #tpu.memory_space<semaphore_mem>>) src(%dma_wait3A_54 : memref<158x64xi32, #tpu.memory_space<hbm>>) dst(%arg10 : memref<158x64xi32, #tpu.memory_space<vmem>>)
      tpu.yield
    }) : () -> ()
    "tpu.region"() ({
      %run_scoped3A = tpu.sem_alloc : memref<!tpu.dma_semaphore, #tpu.memory_space<semaphore_mem>>
      tpu.enqueue_dma source(%arg5 : memref<64x8xf32, #tpu.memory_space<hbm>>) target(%arg12 : memref<64x8xf32, #tpu.memory_space<vmem>>) target_semaphore(%run_scoped3A : memref<!tpu.dma_semaphore, #tpu.memory_space<semaphore_mem>>)
      tpu.wait_dma2 semaphore(%run_scoped3A : memref<!tpu.dma_semaphore, #tpu.memory_space<semaphore_mem>>) src(%arg5 : memref<64x8xf32, #tpu.memory_space<hbm>>) dst(%arg12 : memref<64x8xf32, #tpu.memory_space<vmem>>)
      tpu.yield
    }) : () -> ()
    %eq3A = arith.constant 1 : i32
    %eq3A_0 = arith.cmpi eq, %arg0, %eq3A : i32
    %convert_element_type3A = arith.extui %eq3A_0 : i1 to i32
    %cond3A = arith.constant 0 : i32
    %cond3A_1 = arith.cmpi ne, %convert_element_type3A, %cond3A : i32
    scf.if %cond3A_1 {
      %scan3A_40 = arith.constant 0 : i32
      %scan3A_41 = arith.constant 0 : i32
      %scan3A_42 = arith.constant 158 : i32
      %scan3A_43 = arith.addi %scan3A_41, %scan3A_42 : i32
      %scan3A_44 = arith.constant 1 : i32
      scf.for %scan3A_46 = %scan3A_41 to %scan3A_43 step %scan3A_44  : i32 {
        %scan3A_47 = arith.constant 0 : i32
        %scan3A_48 = arith.constant 4 : i32
        %scan3A_49 = arith.addi %scan3A_47, %scan3A_48 : i32
        %scan3A_50 = arith.constant 1 : i32
        scf.for %scan3A_52 = %scan3A_47 to %scan3A_49 step %scan3A_50  : i32 {
          %mul3A_53 = arith.constant 16 : i32
          %mul3A_54 = arith.muli %scan3A_52, %mul3A_53 : i32
          %get3A = arith.index_cast %scan3A_46 : i32 to index
          %get3A_55 = arith.index_cast %mul3A_54 : i32 to index
          %get3A_56 = tpu.vector_load %arg9[%get3A, %get3A_55] {strides = array<i32>} : memref<158x64xi32, #tpu.memory_space<vmem>>, vector<1x16xi32>,
          %get3A_57 = vector.shape_cast %get3A_56 : vector<1x16xi32> to vector<16xi32>
          %add3A_58 = arith.constant 10000 : i32
          %add3A_59 = vector.broadcast %add3A_58 : i32 to vector<16xi32>
          %add3A_60 = arith.addi %get3A_57, %add3A_59 : vector<16xi32>
          %swap3A = arith.index_cast %scan3A_46 : i32 to index
          %swap3A_61 = arith.index_cast %mul3A_54 : i32 to index
          %swap3A_62 = tpu.vector_load %arg9[%swap3A, %swap3A_61] {strides = array<i32>} : memref<158x64xi32, #tpu.memory_space<vmem>>, vector<1x16xi32>,
          %swap3A_63 = vector.shape_cast %swap3A_62 : vector<1x16xi32> to vector<16xi32>
          %swap3A_64 = vector.shape_cast %add3A_60 : vector<16xi32> to vector<1x16xi32>
          tpu.vector_store %arg9[%swap3A, %swap3A_61], %swap3A_64 {strides = array<i32>} : memref<158x64xi32, #tpu.memory_space<vmem>>, vector<1x16xi32>,
        }
        %scan3A_51 = arith.constant 4 : i32
      }
      %scan3A_45 = arith.constant 158 : i32
    } else {
    }
    %mul3A = arith.constant 640 : i32
    %mul3A_2 = arith.muli %arg1, %mul3A : i32
    %scan3A = arith.constant 0 : i32
    %scan3A_3 = arith.constant 0 : i32
    %scan3A_4 = arith.constant 64 : i32
    %scan3A_5 = arith.addi %scan3A_3, %scan3A_4 : i32
    %scan3A_6 = arith.constant 1 : i32
    scf.for %scan3A_40 = %scan3A_3 to %scan3A_5 step %scan3A_6  : i32 {
      %scan3A_41 = arith.constant 0 : i32
      %scan3A_42 = arith.constant 8 : i32
      %scan3A_43 = arith.addi %scan3A_41, %scan3A_42 : i32
      %scan3A_44 = arith.constant 1 : i32
      scf.for %scan3A_46 = %scan3A_41 to %scan3A_43 step %scan3A_44  : i32 {
        %broadcast_in_dim3A = arith.constant 0.000000e+00 : f32
        %broadcast_in_dim3A_47 = vector.broadcast %broadcast_in_dim3A : f32 to vector<16xf32>
        %mul3A_48 = arith.constant 16 : i32
        %mul3A_49 = arith.muli %scan3A_46, %mul3A_48 : i32
        %swap3A = arith.constant 0 : i32
        %swap3A_50 = arith.index_cast %swap3A : i32 to index
        %swap3A_51 = arith.index_cast %scan3A_40 : i32 to index
        %swap3A_52 = arith.index_cast %mul3A_49 : i32 to index
        %swap3A_53 = tpu.vector_load %arg11[%swap3A_50, %swap3A_51, %swap3A_52] {strides = array<i32>} : memref<2x64x128xf32, #tpu.memory_space<vmem>>, vector<1x1x16xf32>,
        %swap3A_54 = vector.shape_cast %swap3A_53 : vector<1x1x16xf32> to vector<16xf32>
        %swap3A_55 = vector.shape_cast %broadcast_in_dim3A_47 : vector<16xf32> to vector<1x1x16xf32>
        tpu.vector_store %arg11[%swap3A_50, %swap3A_51, %swap3A_52], %swap3A_55 {strides = array<i32>} : memref<2x64x128xf32, #tpu.memory_space<vmem>>, vector<1x1x16xf32>,
      }
      %scan3A_45 = arith.constant 8 : i32
    }
    %scan3A_7 = arith.constant 64 : i32
    %scan3A_8 = arith.constant 0 : i32
    %scan3A_9 = arith.constant 0 : i32
    %scan3A_10 = arith.constant 10 : i32
    %scan3A_11 = arith.addi %scan3A_9, %scan3A_10 : i32
    %scan3A_12 = arith.constant 1 : i32
    scf.for %scan3A_40 = %scan3A_9 to %scan3A_11 step %scan3A_12  : i32 {
      %mul3A_41 = arith.constant 64 : i32
      %mul3A_42 = arith.muli %scan3A_40, %mul3A_41 : i32
      %add3A_43 = arith.addi %mul3A_2, %mul3A_42 : i32
      %run_scoped3A = arith.constant 0 : i32
      "tpu.region"() ({
        %run_scoped3A_44 = tpu.sem_alloc : memref<!tpu.dma_semaphore, #tpu.memory_space<semaphore_mem>>
        %dma_start3A_45 = arith.constant 0 : i32
        %dma_start3A_46 = arith.constant 0 : i32
        %dma_start3A_47 = tpu.memref_slice %arg11[%run_scoped3A, %dma_start3A_45, %dma_start3A_46] : memref<2x64x128xf32, #tpu.memory_space<vmem>> -> memref<1x64x128xf32, #tpu.memory_space<vmem>>
        %dma_start3A_48 = tpu.memref_squeeze %dma_start3A_47 : memref<1x64x128xf32, #tpu.memory_space<vmem>> -> memref<64x128xf32, #tpu.memory_space<vmem>>
        %dma_start3A_49 = arith.constant 0 : i32
        %dma_start3A_50 = tpu.memref_slice %arg13[%add3A_43, %dma_start3A_49] : memref<10240x128xf32, #tpu.memory_space<vmem_shared>> -> memref<64x128xf32, #tpu.memory_space<vmem_shared>>
        %dma_start3A_51 = arith.constant 0 : i32
        %dma_start3A_52 = tpu.memref_slice %arg13[%add3A_43, %dma_start3A_51] : memref<10240x128xf32, #tpu.memory_space<vmem_shared>> -> memref<64x128xf32, #tpu.memory_space<vmem_shared>>
        %dma_start3A_53 = arith.constant 0 : i32
        %dma_start3A_54 = arith.constant 0 : i32
        %dma_start3A_55 = tpu.memref_slice %arg11[%run_scoped3A, %dma_start3A_53, %dma_start3A_54] : memref<2x64x128xf32, #tpu.memory_space<vmem>> -> memref<1x64x128xf32, #tpu.memory_space<vmem>>
        %dma_start3A_56 = tpu.memref_squeeze %dma_start3A_55 : memref<1x64x128xf32, #tpu.memory_space<vmem>> -> memref<64x128xf32, #tpu.memory_space<vmem>>
        tpu.enqueue_dma source(%dma_start3A_56 : memref<64x128xf32, #tpu.memory_space<vmem>>) target(%dma_start3A_52 : memref<64x128xf32, #tpu.memory_space<vmem_shared>>) target_semaphore(%run_scoped3A_44 : memref<!tpu.dma_semaphore, #tpu.memory_space<semaphore_mem>>)
        %dma_wait3A = arith.constant 0 : i32
        %dma_wait3A_57 = arith.constant 0 : i32
        %dma_wait3A_58 = tpu.memref_slice %arg11[%run_scoped3A, %dma_wait3A, %dma_wait3A_57] : memref<2x64x128xf32, #tpu.memory_space<vmem>> -> memref<1x64x128xf32, #tpu.memory_space<vmem>>
        %dma_wait3A_59 = tpu.memref_squeeze %dma_wait3A_58 : memref<1x64x128xf32, #tpu.memory_space<vmem>> -> memref<64x128xf32, #tpu.memory_space<vmem>>
        %dma_wait3A_60 = arith.constant 0 : i32
        %dma_wait3A_61 = tpu.memref_slice %arg13[%add3A_43, %dma_wait3A_60] : memref<10240x128xf32, #tpu.memory_space<vmem_shared>> -> memref<64x128xf32, #tpu.memory_space<vmem_shared>>
        %dma_wait3A_62 = arith.constant 0 : i32
        %dma_wait3A_63 = tpu.memref_slice %arg13[%add3A_43, %dma_wait3A_62] : memref<10240x128xf32, #tpu.memory_space<vmem_shared>> -> memref<64x128xf32, #tpu.memory_space<vmem_shared>>
        %dma_wait3A_64 = arith.constant 0 : i32
        %dma_wait3A_65 = arith.constant 0 : i32
        %dma_wait3A_66 = tpu.memref_slice %arg11[%run_scoped3A, %dma_wait3A_64, %dma_wait3A_65] : memref<2x64x128xf32, #tpu.memory_space<vmem>> -> memref<1x64x128xf32, #tpu.memory_space<vmem>>
        %dma_wait3A_67 = tpu.memref_squeeze %dma_wait3A_66 : memref<1x64x128xf32, #tpu.memory_space<vmem>> -> memref<64x128xf32, #tpu.memory_space<vmem>>
        tpu.wait_dma2 semaphore(%run_scoped3A_44 : memref<!tpu.dma_semaphore, #tpu.memory_space<semaphore_mem>>) src(%dma_wait3A_67 : memref<64x128xf32, #tpu.memory_space<vmem>>) dst(%dma_wait3A_63 : memref<64x128xf32, #tpu.memory_space<vmem_shared>>)
        tpu.yield
      }) : () -> ()
    }
    %scan3A_13 = arith.constant 10 : i32
    "tpu.region"() ({
      %run_scoped3A = tpu.sem_alloc : memref<!tpu.dma_semaphore, #tpu.memory_space<semaphore_mem>>
      %dma_start3A_40 = arith.constant 0 : i32
      %dma_start3A_41 = tpu.memref_slice %arg14[%mul3A_2, %dma_start3A_40] : memref<10240x8xf32, #tpu.memory_space<vmem_shared>> -> memref<640x8xf32, #tpu.memory_space<vmem_shared>>
      tpu.enqueue_dma source(%arg6 : memref<640x8xf32, #tpu.memory_space<hbm>>) target(%dma_start3A_41 : memref<640x8xf32, #tpu.memory_space<vmem_shared>>) target_semaphore(%run_scoped3A : memref<!tpu.dma_semaphore, #tpu.memory_space<semaphore_mem>>)
      %dma_wait3A = arith.constant 0 : i32
      %dma_wait3A_42 = tpu.memref_slice %arg14[%mul3A_2, %dma_wait3A] : memref<10240x8xf32, #tpu.memory_space<vmem_shared>> -> memref<640x8xf32, #tpu.memory_space<vmem_shared>>
      tpu.wait_dma2 semaphore(%run_scoped3A : memref<!tpu.dma_semaphore, #tpu.memory_space<semaphore_mem>>) src(%arg6 : memref<640x8xf32, #tpu.memory_space<hbm>>) dst(%dma_wait3A_42 : memref<640x8xf32, #tpu.memory_space<vmem_shared>>)
      tpu.yield
    }) : () -> ()
    %barrier3A = arith.constant 0 : index
    tpu.barrier barrier_id(%barrier3A)
    %dma_start3A = arith.constant 0 : i32
    %dma_start3A_14 = arith.constant 0 : i32
    %dma_start3A_15 = arith.constant 0 : i32
    %dma_start3A_16 = arith.constant 0 : i32
    %dma_start3A_17 = tpu.memref_slice %arg11[%dma_start3A_14, %dma_start3A_15, %dma_start3A_16] : memref<2x64x128xf32, #tpu.memory_space<vmem>> -> memref<1x64x128xf32, #tpu.memory_space<vmem>>
    %dma_start3A_18 = tpu.memref_squeeze %dma_start3A_17 : memref<1x64x128xf32, #tpu.memory_space<vmem>> -> memref<64x128xf32, #tpu.memory_space<vmem>>
    %dma_start3A_19 = arith.constant 0 : i32
    %dma_start3A_20 = tpu.memref_slice %arg9[%dma_start3A, %dma_start3A_19] : memref<158x64xi32, #tpu.memory_space<vmem>> -> memref<1x64xi32, #tpu.memory_space<vmem>>
    %dma_start3A_21 = tpu.memref_squeeze %dma_start3A_20 : memref<1x64xi32, #tpu.memory_space<vmem>> -> memref<64xi32, #tpu.memory_space<vmem>>
    %dma_start3A_22 = arith.constant 0 : i32
    %dma_start3A_23 = arith.constant 0 : i32
    %dma_start3A_24 = tpu.memref_slice %arg2[%dma_start3A_22, %dma_start3A_23] : memref<20000x128xf32, #tpu.memory_space<hbm>> -> memref<20000x128xf32, #tpu.memory_space<hbm>>
    tpu.enqueue_indirect_dma source(%dma_start3A_24 : memref<20000x128xf32, #tpu.memory_space<hbm>>) target(%dma_start3A_18 : memref<64x128xf32, #tpu.memory_space<vmem>>) offsets(%dma_start3A_21 : memref<64xi32, #tpu.memory_space<vmem>>) semaphore(%arg15 : memref<!tpu.dma_semaphore, #tpu.memory_space<semaphore_mem>>)
    %scan3A_25 = arith.constant 0 : i32
    %scan3A_26 = arith.constant 0 : i32
    %scan3A_27 = arith.constant 158 : i32
    %scan3A_28 = arith.addi %scan3A_26, %scan3A_27 : i32
    %scan3A_29 = arith.constant 1 : i32
    scf.for %scan3A_40 = %scan3A_26 to %scan3A_28 step %scan3A_29  : i32 {
      %rem3A = arith.constant 2 : i32
      %rem3A_41 = arith.remsi %scan3A_40, %rem3A : i32
      %dma_wait3A = arith.constant 0 : i32
      %dma_wait3A_42 = arith.constant 0 : i32
      %dma_wait3A_43 = tpu.memref_slice %arg11[%rem3A_41, %dma_wait3A, %dma_wait3A_42] : memref<2x64x128xf32, #tpu.memory_space<vmem>> -> memref<1x64x128xf32, #tpu.memory_space<vmem>>
      %dma_wait3A_44 = tpu.memref_squeeze %dma_wait3A_43 : memref<1x64x128xf32, #tpu.memory_space<vmem>> -> memref<64x128xf32, #tpu.memory_space<vmem>>
      %dma_wait3A_45 = arith.constant 0 : i32
      %dma_wait3A_46 = tpu.memref_slice %arg9[%scan3A_40, %dma_wait3A_45] : memref<158x64xi32, #tpu.memory_space<vmem>> -> memref<1x64xi32, #tpu.memory_space<vmem>>
      %dma_wait3A_47 = tpu.memref_squeeze %dma_wait3A_46 : memref<1x64xi32, #tpu.memory_space<vmem>> -> memref<64xi32, #tpu.memory_space<vmem>>
      %dma_wait3A_48 = arith.constant 0 : i32
      %dma_wait3A_49 = arith.constant 0 : i32
      %dma_wait3A_50 = tpu.memref_slice %arg2[%dma_wait3A_48, %dma_wait3A_49] : memref<20000x128xf32, #tpu.memory_space<hbm>> -> memref<20000x128xf32, #tpu.memory_space<hbm>>
      tpu.wait_indirect_dma semaphore(%arg15 : memref<!tpu.dma_semaphore, #tpu.memory_space<semaphore_mem>>) src(%dma_wait3A_50 : memref<20000x128xf32, #tpu.memory_space<hbm>>) dst(%dma_wait3A_44 : memref<64x128xf32, #tpu.memory_space<vmem>>)
      %add3A_51 = arith.constant 1 : i32
      %add3A_52 = arith.addi %scan3A_40, %add3A_51 : i32
      %lt3A = arith.constant 158 : i32
      %lt3A_53 = arith.cmpi slt, %add3A_52, %lt3A : i32
      %convert_element_type3A_54 = arith.extui %lt3A_53 : i1 to i32
      %cond3A_55 = arith.constant 0 : i32
      %cond3A_56 = arith.cmpi ne, %convert_element_type3A_54, %cond3A_55 : i32
      scf.if %cond3A_56 {
        %add3A_62 = arith.constant 1 : i32
        %add3A_63 = arith.addi %scan3A_40, %add3A_62 : i32
        %sub3A = arith.constant 1 : i32
        %sub3A_64 = arith.subi %sub3A, %rem3A_41 : i32
        %dma_start3A_65 = arith.constant 0 : i32
        %dma_start3A_66 = arith.constant 0 : i32
        %dma_start3A_67 = tpu.memref_slice %arg11[%sub3A_64, %dma_start3A_65, %dma_start3A_66] : memref<2x64x128xf32, #tpu.memory_space<vmem>> -> memref<1x64x128xf32, #tpu.memory_space<vmem>>
        %dma_start3A_68 = tpu.memref_squeeze %dma_start3A_67 : memref<1x64x128xf32, #tpu.memory_space<vmem>> -> memref<64x128xf32, #tpu.memory_space<vmem>>
        %dma_start3A_69 = arith.constant 0 : i32
        %dma_start3A_70 = tpu.memref_slice %arg9[%add3A_63, %dma_start3A_69] : memref<158x64xi32, #tpu.memory_space<vmem>> -> memref<1x64xi32, #tpu.memory_space<vmem>>
        %dma_start3A_71 = tpu.memref_squeeze %dma_start3A_70 : memref<1x64xi32, #tpu.memory_space<vmem>> -> memref<64xi32, #tpu.memory_space<vmem>>
        %dma_start3A_72 = arith.constant 0 : i32
        %dma_start3A_73 = arith.constant 0 : i32
        %dma_start3A_74 = tpu.memref_slice %arg2[%dma_start3A_72, %dma_start3A_73] : memref<20000x128xf32, #tpu.memory_space<hbm>> -> memref<20000x128xf32, #tpu.memory_space<hbm>>
        tpu.enqueue_indirect_dma source(%dma_start3A_74 : memref<20000x128xf32, #tpu.memory_space<hbm>>) target(%dma_start3A_68 : memref<64x128xf32, #tpu.memory_space<vmem>>) offsets(%dma_start3A_71 : memref<64xi32, #tpu.memory_space<vmem>>) semaphore(%arg15 : memref<!tpu.dma_semaphore, #tpu.memory_space<semaphore_mem>>)
      } else {
      }
      "tpu.region"() ({
        %run_scoped3A = tpu.sem_alloc : memref<!tpu.dma_semaphore, #tpu.memory_space<semaphore_mem>>
        %dma_start3A_62 = arith.constant 0 : i32
        %dma_start3A_63 = arith.constant 0 : i32
        %dma_start3A_64 = tpu.memref_slice %arg11[%rem3A_41, %dma_start3A_62, %dma_start3A_63] : memref<2x64x128xf32, #tpu.memory_space<vmem>> -> memref<1x64x128xf32, #tpu.memory_space<vmem>>
        %dma_start3A_65 = tpu.memref_squeeze %dma_start3A_64 : memref<1x64x128xf32, #tpu.memory_space<vmem>> -> memref<64x128xf32, #tpu.memory_space<vmem>>
        %dma_start3A_66 = arith.constant 0 : i32
        %dma_start3A_67 = tpu.memref_slice %arg10[%scan3A_40, %dma_start3A_66] : memref<158x64xi32, #tpu.memory_space<vmem>> -> memref<1x64xi32, #tpu.memory_space<vmem>>
        %dma_start3A_68 = tpu.memref_squeeze %dma_start3A_67 : memref<1x64xi32, #tpu.memory_space<vmem>> -> memref<64xi32, #tpu.memory_space<vmem>>
        %dma_start3A_69 = arith.constant 0 : i32
        %dma_start3A_70 = arith.constant 0 : i32
        %dma_start3A_71 = tpu.memref_slice %arg13[%dma_start3A_69, %dma_start3A_70] : memref<10240x128xf32, #tpu.memory_space<vmem_shared>> -> memref<10240x128xf32, #tpu.memory_space<vmem_shared>>
        tpu.enqueue_indirect_dma source(%dma_start3A_65 : memref<64x128xf32, #tpu.memory_space<vmem>>) target(%dma_start3A_71 : memref<10240x128xf32, #tpu.memory_space<vmem_shared>>) offsets(%dma_start3A_68 : memref<64xi32, #tpu.memory_space<vmem>>) semaphore(%run_scoped3A : memref<!tpu.dma_semaphore, #tpu.memory_space<semaphore_mem>>) {add = true}
        %dma_wait3A_72 = arith.constant 0 : i32
        %dma_wait3A_73 = arith.constant 0 : i32
        %dma_wait3A_74 = tpu.memref_slice %arg11[%rem3A_41, %dma_wait3A_72, %dma_wait3A_73] : memref<2x64x128xf32, #tpu.memory_space<vmem>> -> memref<1x64x128xf32, #tpu.memory_space<vmem>>
        %dma_wait3A_75 = tpu.memref_squeeze %dma_wait3A_74 : memref<1x64x128xf32, #tpu.memory_space<vmem>> -> memref<64x128xf32, #tpu.memory_space<vmem>>
        %dma_wait3A_76 = arith.constant 0 : i32
        %dma_wait3A_77 = tpu.memref_slice %arg10[%scan3A_40, %dma_wait3A_76] : memref<158x64xi32, #tpu.memory_space<vmem>> -> memref<1x64xi32, #tpu.memory_space<vmem>>
        %dma_wait3A_78 = tpu.memref_squeeze %dma_wait3A_77 : memref<1x64xi32, #tpu.memory_space<vmem>> -> memref<64xi32, #tpu.memory_space<vmem>>
        %dma_wait3A_79 = arith.constant 0 : i32
        %dma_wait3A_80 = arith.constant 0 : i32
        %dma_wait3A_81 = tpu.memref_slice %arg13[%dma_wait3A_79, %dma_wait3A_80] : memref<10240x128xf32, #tpu.memory_space<vmem_shared>> -> memref<10240x128xf32, #tpu.memory_space<vmem_shared>>
        tpu.wait_indirect_dma semaphore(%run_scoped3A : memref<!tpu.dma_semaphore, #tpu.memory_space<semaphore_mem>>) src(%dma_wait3A_75 : memref<64x128xf32, #tpu.memory_space<vmem>>) dst(%dma_wait3A_81 : memref<10240x128xf32, #tpu.memory_space<vmem_shared>>)
        tpu.yield
      }) : () -> ()
      %eq3A_57 = arith.constant 0 : i32
      %eq3A_58 = arith.cmpi eq, %arg0, %eq3A_57 : i32
      %convert_element_type3A_59 = arith.extui %eq3A_58 : i1 to i32
      %cond3A_60 = arith.constant 0 : i32
      %cond3A_61 = arith.cmpi ne, %convert_element_type3A_59, %cond3A_60 : i32
      scf.if %cond3A_61 {
        "tpu.region"() ({
          %run_scoped3A = tpu.sem_alloc : memref<!tpu.dma_semaphore, #tpu.memory_space<semaphore_mem>>
          %dma_start3A_62 = arith.constant 0 : i32
          %dma_start3A_63 = tpu.memref_slice %arg10[%scan3A_40, %dma_start3A_62] : memref<158x64xi32, #tpu.memory_space<vmem>> -> memref<1x64xi32, #tpu.memory_space<vmem>>
          %dma_start3A_64 = tpu.memref_squeeze %dma_start3A_63 : memref<1x64xi32, #tpu.memory_space<vmem>> -> memref<64xi32, #tpu.memory_space<vmem>>
          %dma_start3A_65 = arith.constant 0 : i32
          %dma_start3A_66 = arith.constant 0 : i32
          %dma_start3A_67 = tpu.memref_slice %arg14[%dma_start3A_65, %dma_start3A_66] : memref<10240x8xf32, #tpu.memory_space<vmem_shared>> -> memref<10240x8xf32, #tpu.memory_space<vmem_shared>>
          tpu.enqueue_indirect_dma source(%arg12 : memref<64x8xf32, #tpu.memory_space<vmem>>) target(%dma_start3A_67 : memref<10240x8xf32, #tpu.memory_space<vmem_shared>>) offsets(%dma_start3A_64 : memref<64xi32, #tpu.memory_space<vmem>>) semaphore(%run_scoped3A : memref<!tpu.dma_semaphore, #tpu.memory_space<semaphore_mem>>) {add = true}
          %dma_wait3A_68 = arith.constant 0 : i32
          %dma_wait3A_69 = tpu.memref_slice %arg10[%scan3A_40, %dma_wait3A_68] : memref<158x64xi32, #tpu.memory_space<vmem>> -> memref<1x64xi32, #tpu.memory_space<vmem>>
          %dma_wait3A_70 = tpu.memref_squeeze %dma_wait3A_69 : memref<1x64xi32, #tpu.memory_space<vmem>> -> memref<64xi32, #tpu.memory_space<vmem>>
          %dma_wait3A_71 = arith.constant 0 : i32
          %dma_wait3A_72 = arith.constant 0 : i32
          %dma_wait3A_73 = tpu.memref_slice %arg14[%dma_wait3A_71, %dma_wait3A_72] : memref<10240x8xf32, #tpu.memory_space<vmem_shared>> -> memref<10240x8xf32, #tpu.memory_space<vmem_shared>>
          tpu.wait_indirect_dma semaphore(%run_scoped3A : memref<!tpu.dma_semaphore, #tpu.memory_space<semaphore_mem>>) src(%arg12 : memref<64x8xf32, #tpu.memory_space<vmem>>) dst(%dma_wait3A_73 : memref<10240x8xf32, #tpu.memory_space<vmem_shared>>)
          tpu.yield
        }) : () -> ()
      } else {
      }
    }
    %scan3A_30 = arith.constant 158 : i32
    %barrier3A_31 = arith.constant 0 : index
    tpu.barrier barrier_id(%barrier3A_31)
    %mul3A_32 = arith.constant 1 : i32
    %mul3A_33 = arith.muli %mul3A_32, %arg0 : i32
    %add3A = arith.constant 0 : i32
    %add3A_34 = arith.addi %mul3A_33, %add3A : i32
    "tpu.region"() ({
      %run_scoped3A = tpu.sem_alloc : memref<!tpu.dma_semaphore, #tpu.memory_space<semaphore_mem>>
      %dma_start3A_40 = arith.constant 0 : i32
      %dma_start3A_41 = tpu.memref_slice %arg7[%add3A_34, %mul3A_2, %dma_start3A_40] : memref<2x10240x128xf32, #tpu.memory_space<hbm>> -> memref<1x640x128xf32, #tpu.memory_space<hbm>>
      %dma_start3A_42 = tpu.memref_squeeze %dma_start3A_41 : memref<1x640x128xf32, #tpu.memory_space<hbm>> -> memref<640x128xf32, #tpu.memory_space<hbm>>
      %dma_start3A_43 = arith.constant 0 : i32
      %dma_start3A_44 = tpu.memref_slice %arg13[%mul3A_2, %dma_start3A_43] : memref<10240x128xf32, #tpu.memory_space<vmem_shared>> -> memref<640x128xf32, #tpu.memory_space<vmem_shared>>
      tpu.enqueue_dma source(%dma_start3A_44 : memref<640x128xf32, #tpu.memory_space<vmem_shared>>) target(%dma_start3A_42 : memref<640x128xf32, #tpu.memory_space<hbm>>) target_semaphore(%run_scoped3A : memref<!tpu.dma_semaphore, #tpu.memory_space<semaphore_mem>>)
      %dma_wait3A = arith.constant 0 : i32
      %dma_wait3A_45 = tpu.memref_slice %arg7[%add3A_34, %mul3A_2, %dma_wait3A] : memref<2x10240x128xf32, #tpu.memory_space<hbm>> -> memref<1x640x128xf32, #tpu.memory_space<hbm>>
      %dma_wait3A_46 = tpu.memref_squeeze %dma_wait3A_45 : memref<1x640x128xf32, #tpu.memory_space<hbm>> -> memref<640x128xf32, #tpu.memory_space<hbm>>
      %dma_wait3A_47 = arith.constant 0 : i32
      %dma_wait3A_48 = tpu.memref_slice %arg13[%mul3A_2, %dma_wait3A_47] : memref<10240x128xf32, #tpu.memory_space<vmem_shared>> -> memref<640x128xf32, #tpu.memory_space<vmem_shared>>
      tpu.wait_dma2 semaphore(%run_scoped3A : memref<!tpu.dma_semaphore, #tpu.memory_space<semaphore_mem>>) src(%dma_wait3A_48 : memref<640x128xf32, #tpu.memory_space<vmem_shared>>) dst(%dma_wait3A_46 : memref<640x128xf32, #tpu.memory_space<hbm>>)
      tpu.yield
    }) : () -> ()
    %eq3A_35 = arith.constant 0 : i32
    %eq3A_36 = arith.cmpi eq, %arg0, %eq3A_35 : i32
    %convert_element_type3A_37 = arith.extui %eq3A_36 : i1 to i32
    %cond3A_38 = arith.constant 0 : i32
    %cond3A_39 = arith.cmpi ne, %convert_element_type3A_37, %cond3A_38 : i32
    scf.if %cond3A_39 {
      "tpu.region"() ({
        %run_scoped3A = tpu.sem_alloc : memref<!tpu.dma_semaphore, #tpu.memory_space<semaphore_mem>>
        %dma_start3A_40 = arith.constant 0 : i32
        %dma_start3A_41 = tpu.memref_slice %arg8[%mul3A_2, %dma_start3A_40] : memref<10240x8xf32, #tpu.memory_space<hbm>> -> memref<640x8xf32, #tpu.memory_space<hbm>>
        %dma_start3A_42 = arith.constant 0 : i32
        %dma_start3A_43 = tpu.memref_slice %arg14[%mul3A_2, %dma_start3A_42] : memref<10240x8xf32, #tpu.memory_space<vmem_shared>> -> memref<640x8xf32, #tpu.memory_space<vmem_shared>>
        tpu.enqueue_dma source(%dma_start3A_43 : memref<640x8xf32, #tpu.memory_space<vmem_shared>>) target(%dma_start3A_41 : memref<640x8xf32, #tpu.memory_space<hbm>>) target_semaphore(%run_scoped3A : memref<!tpu.dma_semaphore, #tpu.memory_space<semaphore_mem>>)
        %dma_wait3A = arith.constant 0 : i32
        %dma_wait3A_44 = tpu.memref_slice %arg8[%mul3A_2, %dma_wait3A] : memref<10240x8xf32, #tpu.memory_space<hbm>> -> memref<640x8xf32, #tpu.memory_space<hbm>>
        %dma_wait3A_45 = arith.constant 0 : i32
        %dma_wait3A_46 = tpu.memref_slice %arg14[%mul3A_2, %dma_wait3A_45] : memref<10240x8xf32, #tpu.memory_space<vmem_shared>> -> memref<640x8xf32, #tpu.memory_space<vmem_shared>>
        tpu.wait_dma2 semaphore(%run_scoped3A : memref<!tpu.dma_semaphore, #tpu.memory_space<semaphore_mem>>) src(%dma_wait3A_46 : memref<640x8xf32, #tpu.memory_space<vmem_shared>>) dst(%dma_wait3A_44 : memref<640x8xf32, #tpu.memory_space<hbm>>)
        tpu.yield
      }) : () -> ()
    } else {
    }
    return
  }
}

module attributes {stable_mosaic.version = 14 : i64} {
  func.func @_l1_body(%arg0: i32, %arg1: memref<2x1000x128xf32, #tpu.memory_space<vmem>>, %arg2: memref<1000x8xf32, #tpu.memory_space<vmem>>, %arg3: memref<1000x256xf32, #tpu.memory_space<vmem>>, %arg4: memref<256x256xf32, #tpu.memory_space<vmem>>, %arg5: memref<256x256xf32, #tpu.memory_space<vmem>>, %arg6: memref<1x256xf32, #tpu.memory_space<vmem>>, %arg7: memref<2x1000x128xf32, #tpu.memory_space<vmem>>) attributes {dimension_semantics = [#tpu.dimension_semantics<arbitrary>], iteration_bounds = array<i64: 10>, scalar_prefetch = 0 : i64, scratch_operands = 0 : i64, tpu.core_type = #tpu.core_type<tc>, window_params = [{transform_indices = @transform_0, window_bounds = array<i64: 2, 1000, 128>}, {transform_indices = @transform_1, window_bounds = array<i64: 1000, 8>}, {transform_indices = @transform_2, window_bounds = array<i64: 1000, 256>}, {pipeline_mode = #tpu.pipeline_mode<synchronous>, transform_indices = @transform_3, window_bounds = array<i64: 256, 256>}, {pipeline_mode = #tpu.pipeline_mode<synchronous>, transform_indices = @transform_4, window_bounds = array<i64: 256, 256>}, {pipeline_mode = #tpu.pipeline_mode<synchronous>, transform_indices = @transform_5, window_bounds = array<i64: 1, 256>}, {transform_indices = @transform_6, window_bounds = array<i64: 2, 1000, 128>}]} {
    %get3A = arith.constant 0 : index
    %get3A_0 = arith.constant 0 : index
    %get3A_1 = arith.constant 0 : index
    %get3A_2 = vector.load %arg1[%get3A, %get3A_0, %get3A_1] : memref<2x1000x128xf32, #tpu.memory_space<vmem>>, vector<2x1000x128xf32>
    %slice3A = vector.extract_strided_slice %get3A_2 {offsets = [0, 0, 0], sizes = [1, 1000, 128], strides = [1, 1, 1]} : vector<2x1000x128xf32> to vector<1x1000x128xf32>
    %squeeze3A = vector.shape_cast %slice3A : vector<1x1000x128xf32> to vector<1000x128xf32>
    %slice3A_3 = vector.extract_strided_slice %get3A_2 {offsets = [1, 0, 0], sizes = [1, 1000, 128], strides = [1, 1, 1]} : vector<2x1000x128xf32> to vector<1x1000x128xf32>
    %squeeze3A_4 = vector.shape_cast %slice3A_3 : vector<1x1000x128xf32> to vector<1000x128xf32>
    %concatenate3A = tpu.concatenate %squeeze3A, %squeeze3A_4 in 1 : vector<1000x128xf32>, vector<1000x128xf32> -> vector<1000x256xf32>
    %get3A_5 = arith.constant 0 : index
    %get3A_6 = arith.constant 0 : index
    %get3A_7 = vector.load %arg2[%get3A_5, %get3A_6] : memref<1000x8xf32, #tpu.memory_space<vmem>>, vector<1000x8xf32>
    %get3A_8 = arith.constant 0 : index
    %get3A_9 = arith.constant 0 : index
    %get3A_10 = vector.load %arg3[%get3A_8, %get3A_9] : memref<1000x256xf32, #tpu.memory_space<vmem>>, vector<1000x256xf32>
    %get3A_11 = arith.constant 0 : index
    %get3A_12 = arith.constant 0 : index
    %get3A_13 = vector.load %arg4[%get3A_11, %get3A_12] : memref<256x256xf32, #tpu.memory_space<vmem>>, vector<256x256xf32>
    %get3A_14 = arith.constant 0 : index
    %get3A_15 = arith.constant 0 : index
    %get3A_16 = vector.load %arg5[%get3A_14, %get3A_15] : memref<256x256xf32, #tpu.memory_space<vmem>>, vector<256x256xf32>
    %get3A_17 = arith.constant 0 : index
    %get3A_18 = arith.constant 0 : index
    %get3A_19 = vector.load %arg6[%get3A_17, %get3A_18] : memref<1x256xf32, #tpu.memory_space<vmem>>, vector<1x256xf32>
    %slice3A_20 = vector.extract_strided_slice %get3A_7 {offsets = [0, 0], sizes = [1000, 1], strides = [1, 1]} : vector<1000x8xf32> to vector<1000x1xf32>
    %max3A = arith.constant 1.000000e+00 : f32
    %max3A_21 = vector.broadcast %max3A : f32 to vector<1000x1xf32>
    %max3A_22 = arith.maximumf %slice3A_20, %max3A_21 : vector<1000x1xf32>
    %div3A = vector.broadcast %max3A_22 : vector<1000x1xf32> to vector<1000x256xf32>
    %div3A_23 = arith.divf %concatenate3A, %div3A : vector<1000x256xf32>
    %dot_general3A = arith.constant dense<0.000000e+00> : vector<1000x256xf32>
    %dot_general3A_24 = tpu.matmul %div3A_23, %get3A_13, %dot_general3A {dimension_numbers = #tpu.dot_dimension_numbers<[1], [1], [0], [0], [0, 0, 1, 0], [], []>, transpose_lhs_hint = false} : vector<1000x256xf32>, vector<256x256xf32>, vector<1000x256xf32> -> vector<1000x256xf32>
    %dot_general3A_25 = arith.constant dense<0.000000e+00> : vector<1000x256xf32>
    %dot_general3A_26 = tpu.matmul %get3A_10, %get3A_16, %dot_general3A_25 {dimension_numbers = #tpu.dot_dimension_numbers<[1], [1], [0], [0], [0, 0, 1, 0], [], []>, transpose_lhs_hint = false} : vector<1000x256xf32>, vector<256x256xf32>, vector<1000x256xf32> -> vector<1000x256xf32>
    %add3A = arith.addf %dot_general3A_24, %dot_general3A_26 : vector<1000x256xf32>
    %add3A_27 = vector.broadcast %get3A_19 : vector<1x256xf32> to vector<1000x256xf32>
    %add3A_28 = arith.addf %add3A, %add3A_27 : vector<1000x256xf32>
    %max3A_29 = arith.constant 0.000000e+00 : f32
    %max3A_30 = vector.broadcast %max3A_29 : f32 to vector<1000x256xf32>
    %max3A_31 = arith.maximumf %add3A_28, %max3A_30 : vector<1000x256xf32>
    %slice3A_32 = vector.extract_strided_slice %max3A_31 {offsets = [0, 0], sizes = [1000, 128], strides = [1, 1]} : vector<1000x256xf32> to vector<1000x128xf32>
    %slice3A_33 = vector.extract_strided_slice %max3A_31 {offsets = [0, 128], sizes = [1000, 128], strides = [1, 1]} : vector<1000x256xf32> to vector<1000x128xf32>
    %stack3A = vector.shape_cast %slice3A_32 : vector<1000x128xf32> to vector<1x1000x128xf32>
    %stack3A_34 = vector.shape_cast %slice3A_33 : vector<1000x128xf32> to vector<1x1000x128xf32>
    %stack3A_35 = tpu.concatenate %stack3A, %stack3A_34 in 0 : vector<1x1000x128xf32>, vector<1x1000x128xf32> -> vector<2x1000x128xf32>
    %swap3A = arith.constant 0 : index
    %swap3A_36 = arith.constant 0 : index
    %swap3A_37 = arith.constant 0 : index
    %swap3A_38 = vector.load %arg7[%swap3A, %swap3A_36, %swap3A_37] : memref<2x1000x128xf32, #tpu.memory_space<vmem>>, vector<2x1000x128xf32>
    tpu.vector_store %arg7[%swap3A, %swap3A_36, %swap3A_37], %stack3A_35 {strides = array<i32>} : memref<2x1000x128xf32, #tpu.memory_space<vmem>>, vector<2x1000x128xf32>,
    return
  }
  func.func @transform_0(%arg0: i32) -> (i32, i32, i32) {
    %c0_i32 = arith.constant 0 : i32
    %c0_i32_0 = arith.constant 0 : i32
    %c0_i32_1 = arith.constant 0 : i32
    return %c0_i32, %arg0, %c0_i32_0 : i32, i32, i32
  }
  func.func @transform_1(%arg0: i32) -> (i32, i32) {
    %c0_i32 = arith.constant 0 : i32
    %c0_i32_0 = arith.constant 0 : i32
    return %arg0, %c0_i32 : i32, i32
  }
  func.func @transform_2(%arg0: i32) -> (i32, i32) {
    %c0_i32 = arith.constant 0 : i32
    %c0_i32_0 = arith.constant 0 : i32
    return %arg0, %c0_i32 : i32, i32
  }
  func.func @transform_3(%arg0: i32) -> (i32, i32) {
    %c0_i32 = arith.constant 0 : i32
    %c0_i32_0 = arith.constant 0 : i32
    %c0_i32_1 = arith.constant 0 : i32
    return %c0_i32, %c0_i32_0 : i32, i32
  }
  func.func @transform_4(%arg0: i32) -> (i32, i32) {
    %c0_i32 = arith.constant 0 : i32
    %c0_i32_0 = arith.constant 0 : i32
    %c0_i32_1 = arith.constant 0 : i32
    return %c0_i32, %c0_i32_0 : i32, i32
  }
  func.func @transform_5(%arg0: i32) -> (i32, i32) {
    %c0_i32 = arith.constant 0 : i32
    %c0_i32_0 = arith.constant 0 : i32
    %c0_i32_1 = arith.constant 0 : i32
    return %c0_i32, %c0_i32_0 : i32, i32
  }
  func.func @transform_6(%arg0: i32) -> (i32, i32, i32) {
    %c0_i32 = arith.constant 0 : i32
    %c0_i32_0 = arith.constant 0 : i32
    %c0_i32_1 = arith.constant 0 : i32
    return %c0_i32, %arg0, %c0_i32_0 : i32, i32, i32
  }
}

module attributes {stable_mosaic.version = 14 : i64} {
  func.func @_l2_body(%arg0: i32, %arg1: memref<2x1000x128xf32, #tpu.memory_space<vmem>>, %arg2: memref<1000x8xf32, #tpu.memory_space<vmem>>, %arg3: memref<2x1000x128xf32, #tpu.memory_space<vmem>>, %arg4: memref<256x256xf32, #tpu.memory_space<vmem>>, %arg5: memref<256x256xf32, #tpu.memory_space<vmem>>, %arg6: memref<1x256xf32, #tpu.memory_space<vmem>>, %arg7: memref<1000x256xf32, #tpu.memory_space<vmem>>) attributes {dimension_semantics = [#tpu.dimension_semantics<arbitrary>], iteration_bounds = array<i64: 10>, scalar_prefetch = 0 : i64, scratch_operands = 0 : i64, tpu.core_type = #tpu.core_type<tc>, window_params = [{transform_indices = @transform_0, window_bounds = array<i64: 2, 1000, 128>}, {transform_indices = @transform_1, window_bounds = array<i64: 1000, 8>}, {transform_indices = @transform_2, window_bounds = array<i64: 2, 1000, 128>}, {pipeline_mode = #tpu.pipeline_mode<synchronous>, transform_indices = @transform_3, window_bounds = array<i64: 256, 256>}, {pipeline_mode = #tpu.pipeline_mode<synchronous>, transform_indices = @transform_4, window_bounds = array<i64: 256, 256>}, {pipeline_mode = #tpu.pipeline_mode<synchronous>, transform_indices = @transform_5, window_bounds = array<i64: 1, 256>}, {transform_indices = @transform_6, window_bounds = array<i64: 1000, 256>}]} {
    %get3A = arith.constant 0 : index
    %get3A_0 = arith.constant 0 : index
    %get3A_1 = arith.constant 0 : index
    %get3A_2 = vector.load %arg1[%get3A, %get3A_0, %get3A_1] : memref<2x1000x128xf32, #tpu.memory_space<vmem>>, vector<2x1000x128xf32>
    %slice3A = vector.extract_strided_slice %get3A_2 {offsets = [0, 0, 0], sizes = [1, 1000, 128], strides = [1, 1, 1]} : vector<2x1000x128xf32> to vector<1x1000x128xf32>
    %squeeze3A = vector.shape_cast %slice3A : vector<1x1000x128xf32> to vector<1000x128xf32>
    %slice3A_3 = vector.extract_strided_slice %get3A_2 {offsets = [1, 0, 0], sizes = [1, 1000, 128], strides = [1, 1, 1]} : vector<2x1000x128xf32> to vector<1x1000x128xf32>
    %squeeze3A_4 = vector.shape_cast %slice3A_3 : vector<1x1000x128xf32> to vector<1000x128xf32>
    %concatenate3A = tpu.concatenate %squeeze3A, %squeeze3A_4 in 1 : vector<1000x128xf32>, vector<1000x128xf32> -> vector<1000x256xf32>
    %get3A_5 = arith.constant 0 : index
    %get3A_6 = arith.constant 0 : index
    %get3A_7 = arith.constant 0 : index
    %get3A_8 = vector.load %arg3[%get3A_5, %get3A_6, %get3A_7] : memref<2x1000x128xf32, #tpu.memory_space<vmem>>, vector<2x1000x128xf32>
    %slice3A_9 = vector.extract_strided_slice %get3A_8 {offsets = [0, 0, 0], sizes = [1, 1000, 128], strides = [1, 1, 1]} : vector<2x1000x128xf32> to vector<1x1000x128xf32>
    %squeeze3A_10 = vector.shape_cast %slice3A_9 : vector<1x1000x128xf32> to vector<1000x128xf32>
    %slice3A_11 = vector.extract_strided_slice %get3A_8 {offsets = [1, 0, 0], sizes = [1, 1000, 128], strides = [1, 1, 1]} : vector<2x1000x128xf32> to vector<1x1000x128xf32>
    %squeeze3A_12 = vector.shape_cast %slice3A_11 : vector<1x1000x128xf32> to vector<1000x128xf32>
    %concatenate3A_13 = tpu.concatenate %squeeze3A_10, %squeeze3A_12 in 1 : vector<1000x128xf32>, vector<1000x128xf32> -> vector<1000x256xf32>
    %get3A_14 = arith.constant 0 : index
    %get3A_15 = arith.constant 0 : index
    %get3A_16 = vector.load %arg2[%get3A_14, %get3A_15] : memref<1000x8xf32, #tpu.memory_space<vmem>>, vector<1000x8xf32>
    %get3A_17 = arith.constant 0 : index
    %get3A_18 = arith.constant 0 : index
    %get3A_19 = vector.load %arg4[%get3A_17, %get3A_18] : memref<256x256xf32, #tpu.memory_space<vmem>>, vector<256x256xf32>
    %get3A_20 = arith.constant 0 : index
    %get3A_21 = arith.constant 0 : index
    %get3A_22 = vector.load %arg5[%get3A_20, %get3A_21] : memref<256x256xf32, #tpu.memory_space<vmem>>, vector<256x256xf32>
    %get3A_23 = arith.constant 0 : index
    %get3A_24 = arith.constant 0 : index
    %get3A_25 = vector.load %arg6[%get3A_23, %get3A_24] : memref<1x256xf32, #tpu.memory_space<vmem>>, vector<1x256xf32>
    %slice3A_26 = vector.extract_strided_slice %get3A_16 {offsets = [0, 0], sizes = [1000, 1], strides = [1, 1]} : vector<1000x8xf32> to vector<1000x1xf32>
    %max3A = arith.constant 1.000000e+00 : f32
    %max3A_27 = vector.broadcast %max3A : f32 to vector<1000x1xf32>
    %max3A_28 = arith.maximumf %slice3A_26, %max3A_27 : vector<1000x1xf32>
    %div3A = vector.broadcast %max3A_28 : vector<1000x1xf32> to vector<1000x256xf32>
    %div3A_29 = arith.divf %concatenate3A, %div3A : vector<1000x256xf32>
    %dot_general3A = arith.constant dense<0.000000e+00> : vector<1000x256xf32>
    %dot_general3A_30 = tpu.matmul %div3A_29, %get3A_19, %dot_general3A {dimension_numbers = #tpu.dot_dimension_numbers<[1], [1], [0], [0], [0, 0, 1, 0], [], []>, transpose_lhs_hint = false} : vector<1000x256xf32>, vector<256x256xf32>, vector<1000x256xf32> -> vector<1000x256xf32>
    %dot_general3A_31 = arith.constant dense<0.000000e+00> : vector<1000x256xf32>
    %dot_general3A_32 = tpu.matmul %concatenate3A_13, %get3A_22, %dot_general3A_31 {dimension_numbers = #tpu.dot_dimension_numbers<[1], [1], [0], [0], [0, 0, 1, 0], [], []>, transpose_lhs_hint = false} : vector<1000x256xf32>, vector<256x256xf32>, vector<1000x256xf32> -> vector<1000x256xf32>
    %add3A = arith.addf %dot_general3A_30, %dot_general3A_32 : vector<1000x256xf32>
    %add3A_33 = vector.broadcast %get3A_25 : vector<1x256xf32> to vector<1000x256xf32>
    %add3A_34 = arith.addf %add3A, %add3A_33 : vector<1000x256xf32>
    %swap3A = arith.constant 0 : index
    %swap3A_35 = arith.constant 0 : index
    %swap3A_36 = vector.load %arg7[%swap3A, %swap3A_35] : memref<1000x256xf32, #tpu.memory_space<vmem>>, vector<1000x256xf32>
    tpu.vector_store %arg7[%swap3A, %swap3A_35], %add3A_34 {strides = array<i32>} : memref<1000x256xf32, #tpu.memory_space<vmem>>, vector<1000x256xf32>,
    return
  }
  func.func @transform_0(%arg0: i32) -> (i32, i32, i32) {
    %c0_i32 = arith.constant 0 : i32
    %c0_i32_0 = arith.constant 0 : i32
    %c0_i32_1 = arith.constant 0 : i32
    return %c0_i32, %arg0, %c0_i32_0 : i32, i32, i32
  }
  func.func @transform_1(%arg0: i32) -> (i32, i32) {
    %c0_i32 = arith.constant 0 : i32
    %c0_i32_0 = arith.constant 0 : i32
    return %arg0, %c0_i32 : i32, i32
  }
  func.func @transform_2(%arg0: i32) -> (i32, i32, i32) {
    %c0_i32 = arith.constant 0 : i32
    %c0_i32_0 = arith.constant 0 : i32
    %c0_i32_1 = arith.constant 0 : i32
    return %c0_i32, %arg0, %c0_i32_0 : i32, i32, i32
  }
  func.func @transform_3(%arg0: i32) -> (i32, i32) {
    %c0_i32 = arith.constant 0 : i32
    %c0_i32_0 = arith.constant 0 : i32
    %c0_i32_1 = arith.constant 0 : i32
    return %c0_i32, %c0_i32_0 : i32, i32
  }
  func.func @transform_4(%arg0: i32) -> (i32, i32) {
    %c0_i32 = arith.constant 0 : i32
    %c0_i32_0 = arith.constant 0 : i32
    %c0_i32_1 = arith.constant 0 : i32
    return %c0_i32, %c0_i32_0 : i32, i32
  }
  func.func @transform_5(%arg0: i32) -> (i32, i32) {
    %c0_i32 = arith.constant 0 : i32
    %c0_i32_0 = arith.constant 0 : i32
    %c0_i32_1 = arith.constant 0 : i32
    return %c0_i32, %c0_i32_0 : i32, i32
  }
  func.func @transform_6(%arg0: i32) -> (i32, i32) {
    %c0_i32 = arith.constant 0 : i32
    %c0_i32_0 = arith.constant 0 : i32
    return %arg0, %c0_i32 : i32, i32
  }
}

</mosaic_0001>

<sc_bundles>
// kernel: kernel.6.cloned.1.call-start
scs
__scs_entry_jumppad:
0x0: {  	(pc) =	sbr.rel $0x88, $3  }
0x1: {  	(tag) =	ssettag $0x0;
	lr =	simm.s32 $0x1  }
0x2: {  	[smem:$0x3F99] =	sst lr;
	_ =	strace $0xD0000000  }
0x3: {  	_ = 	snop  }
0x4: {  	_ = 	snop  }
0x5: {  	_ = 	snop  }
0x6: {  	_ = 	snop  }
0x7: {  	_ = 	snop  }
__scs_overlays_trampoline_lowered:
0x8: {  	[smem:$0x3FA8] =	sst s0  }
0x9: {  	[smem:$0x3FA9] =	sst s1  }
0xa: {  	[smem:$0x3FAA] =	sst s2  }
0xb: {  	[smem:$0x3FAB] =	sst s3  }
0xc: {  	[smem:$0x3FAC] =	sst s4  }
0xd: {  	[smem:$0x3FAD] =	sst s5  }
0xe: {  	[smem:$0x3FAE] =	sst s6  }
0xf: {  	[smem:$0x3FAF] =	sst s7  }
0x10: {  	[smem:$0x3FB0] =	sst s8  }
0x11: {  	[smem:$0x3FB1] =	sst s9;
	s0 =	simm.s32 @!p0 $0x0  }
0x12: {  	s1 =	sld [smem:$0x3F97];
	s0 =	simm.s32 @p0 $0x1  }
0x13: {  	[smem:$0x3FB2] =	sst s0;
	s0 =	simm.s32 @!p1 $0x0  }
0x14: {  	s2 =	sld [smem:$0x3F96];
	s0 =	simm.s32 @p1 $0x1  }
0x15: {  	[smem:$0x3FB3] =	sst s0;
	s0 =	simm.s32 @!p2 $0x0  }
0x16: {  	s3 =	sld [smem:$0x3FDB];
	s0 =	simm.s32 @p2 $0x1  }
0x17: {  	s4 =	simm.s32 $0x1BF5;
	[smem:$0x3FB5] =	sst s0  }
0x18: {  	s0 =	sld [smem:$0x3F98];
	_ =	swait.ge [sflag:s4], $0x0  }
0x19: {  	s7 =	sld [smem:$0x3F99]  }
0x1a: {  	s8 =	sadd.s32 $0xFFFFE003, lr  }
0x1b: {  	s9 =	sadd.s32 $0xFFFFFEF7, lr;
	s5 =	simm.s32 $0xFFFFFFFF;
	p2 =	slt.u32 s8, $0xFFFFF086  }
0x1c: {  	p1 =	slt.u32 s9, $0xF7A;
	s5 =	simm.s32 @!p2 $0x0  }
0x1d: {  	s5 =	simm.s32 @p1 $0x1;
	p0 =	seq.s32 s7, s2  }
0x1e: {  	s7 =	smul.u32 @!p0 $0xF7A, s2;
	p2 =	seq.s32 @!p0 s5, $0x0  }
0x1f: {  	s9 =	smul.u32 $0xF7A, s1;
	s8 =	simm.s32 @!p0 $0x1BF5;
	p2 =	por !p2, p0  }
0x20: {  	[sflag:s8] =	ssyncset.s32 @!p0 $0xFFFFF086;
	s6 =	sadd.s32 @!p0 s3, s7;
	s7 =	simm.s32 @!p0 $0x108  }
0x21: {  	s3 =	sadd.s32 s3, s9;
	s6 =	sadd.s32 @!p0 $0x88, s6;
	s7 =	simm.s32 @p2 $0x1082  }
0x22: {  	[simem:s7], [sflag:s8] =	dma.local @!p0 [hbm:s6], $0xF7A  }
0x23: {  	s9 =	sor.u32 $0xD0000000, s2;
	s6 =	simm.s32 $0x108;
	_ =	swait.ge @!p0 [sflag:s8], $0x0  }
0x24: {  	s3 =	sadd.s32 $0x88, s3;
	s6 =	simm.s32 @!p1 $0x1082;
	[sflag:s4] =	ssyncset.s32 $0xFFFFF086  }
0x25: {  	[simem:s6], [sflag:s4] =	dma.local [hbm:s3], $0xF7A  }
0x26: {  	[smem:$0x3F99] =	sst s1;
	(tag) =	ssettag s2;
	_ =	strace s9  }
0x27: {  	s1 =	sld [smem:$0x3FA9]  }
0x28: {  	s2 =	sld [smem:$0x3FAA]  }
0x29: {  	s4 =	sld [smem:$0x3FAC]  }
0x2a: {  	p0 =	seq.s32 s5, $0x0;
	s5 =	sld [smem:$0x3FAD]  }
0x2b: {  	s6 =	sld [smem:$0x3FAE]  }
0x2c: {  	s7 =	sld [smem:$0x3FAF]  }
0x2d: {  	s3 =	simm.s32 $0x108;
	s8 =	sld [smem:$0x3FB0]  }
0x2e: {  	s3 =	simm.s32 @!p0 $0x1082;
	s9 =	sld [smem:$0x3FB1]  }
0x2f: {  	lr =	sadd.s32 s0, s3;
	s0 =	sld [smem:$0x3FA8]  }
0x30: {  	s3 =	sld [smem:$0x3FAB]  }
0x31: {  	[smem:$0x3FB4] =	sst s10  }
0x32: {  	s10 =	sld [smem:$0x3FB2];
	_ =	sdelay $0x3  }
0x33: {  	p0 =	seq.s32 s10, $0x1;
	s10 =	sld [smem:$0x3FB4];
	_ =	sdelay $0x3  }
0x34: {  	[smem:$0x3FB4] =	sst s10  }
0x35: {  	s10 =	sld [smem:$0x3FB3];
	_ =	sdelay $0x3  }
0x36: {  	p1 =	seq.s32 s10, $0x1;
	s10 =	sld [smem:$0x3FB4];
	_ =	sdelay $0x3  }
0x37: {  	[smem:$0x3FB4] =	sst s10  }
0x38: {  	s10 =	sld [smem:$0x3FB5]  }
0x39: {  	_ = 	snop;
	(pc) =	sbr.ind lr, $3  }
0x3a: {  	_ = 	snop  }
0x3b: {  	_ = 	snop  }
0x3c: {  	p2 =	seq.s32 s10, $0x1;
	s10 =	sld [smem:$0x3FB4]  }
0x3d: {  	_ =	shalt  }
0x3e: {  	_ =	shalt  }
0x3f: {  	_ =	shalt  }
0x40: {  	_ =	shalt  }
0x41: {  	_ =	shalt  }
0x42: {  	_ =	shalt  }
0x43: {  	_ =	shalt  }
0x44: {  	_ =	shalt  }
0x45: {  	_ =	shalt  }
0x46: {  	_ =	shalt  }
0x47: {  	_ =	shalt  }
0x48: {  	_ =	shalt  }
0x49: {  	_ =	shalt  }
0x4a: {  	_ =	shalt  }
0x4b: {  	_ =	shalt  }
0x4c: {  	_ =	shalt  }
0x4d: {  	_ =	shalt  }
0x4e: {  	_ =	shalt  }
0x4f: {  	_ =	shalt  }
0x50: {  	_ =	shalt  }
0x51: {  	_ =	shalt  }
0x52: {  	_ =	shalt  }
0x53: {  	_ =	shalt  }
0x54: {  	_ =	shalt  }
0x55: {  	_ =	shalt  }
0x56: {  	_ =	shalt  }
0x57: {  	_ =	shalt  }
0x58: {  	_ =	shalt  }
0x59: {  	_ =	shalt  }
0x5a: {  	_ =	shalt  }
0x5b: {  	_ =	shalt  }
0x5c: {  	_ =	shalt  }
0x5d: {  	_ =	shalt  }
0x5e: {  	_ =	shalt  }
0x5f: {  	_ =	shalt  }
0x60: {  	_ =	shalt  }
0x61: {  	_ =	shalt  }
0x62: {  	_ =	shalt  }
0x63: {  	_ =	shalt  }
0x64: {  	_ =	shalt  }
0x65: {  	_ =	shalt  }
0x66: {  	_ =	shalt  }
0x67: {  	_ =	shalt  }
0x68: {  	_ =	shalt  }
0x69: {  	_ =	shalt  }
0x6a: {  	_ =	shalt  }
0x6b: {  	_ =	shalt  }
0x6c: {  	_ =	shalt  }
0x6d: {  	_ =	shalt  }
0x6e: {  	_ =	shalt  }
0x6f: {  	_ =	shalt  }
0x70: {  	_ =	shalt  }
0x71: {  	_ =	shalt  }
0x72: {  	_ =	shalt  }
0x73: {  	_ =	shalt  }
0x74: {  	_ =	shalt  }
0x75: {  	_ =	shalt  }
0x76: {  	_ =	shalt  }
0x77: {  	_ =	shalt  }
0x78: {  	_ =	shalt  }
0x79: {  	_ =	shalt  }
0x7a: {  	_ =	shalt  }
0x7b: {  	_ =	shalt  }
0x7c: {  	_ =	shalt  }
0x7d: {  	_ =	shalt  }
0x7e: {  	_ =	shalt  }
0x7f: {  	_ =	shalt  }
0x80: {  	_ =	shalt  }
0x81: {  	_ =	shalt  }
0x82: {  	_ =	shalt  }
0x83: {  	_ =	shalt  }
0x84: {  	_ =	shalt  }
0x85: {  	_ =	shalt  }
0x86: {  	_ =	shalt  }
0x87: {  	_ =	shalt  }
.Lfunc_end0:
.L_simem_size_0:
called_computation_lowered:
.L_overlay_start_0:
0x88: {  	s2 =	sld [smem:$0x3FD9]  }
0x89: {  	s3 =	sld [smem:$0x3FFE];
	_ =	sdelay $0x1  }
0x8a: {  	s1 =	srdreg.scid  }
0x8b: {  	s0 =	sand.u32 $0x1, s1  }
0x8c: {  	s17 =	sshll.u32 s0, $0xA;
	s2 =	sadd.s32 s3, s2  }
0x8d: {  	s2 =	sadd.s32 s2, s17  }
0x8e: {  	[smem:$0x3FC0] =	sst s2  }
0x8f: {  	_ = 	snop  }
0x90: {  	s2 =	sld [smem:$0x3FD0];
	(tm) =	ssettm $0x1  }
0x91: {  	s18 =	sld [smem:$0x3FFB];
	_ =	sdelay $0x3  }
0x92: {  	_ =	strace s18  }
0x93: {  	s3 =	sld [smem:$0x3FFC];
	_ =	sdelay $0x3  }
0x94: {  	_ =	strace s3  }
0x95: {  	s3 =	sld [smem:$0x3FFD];
	_ =	sdelay $0x3  }
0x96: {  	_ =	strace s3  }
0x97: {  	_ =	strace $0x8FFFFFFF  }
0x98: {  	s19 =	sld [smem:$0x3FDB];
	_ =	sdelay $0x1  }
0x99: {  	s4 =	simm.s32 $_scs_section_size  }
0x9a: {  	s5 =	simm.s32 $_size__tile_overlayer_lowered;
	s6 =	simm.s32 $_tile_overlayer_lowered  }
0x9b: {  	s22 =	simm.s32 $0x1BFF;
	s21 =	sshll.u32 s6, $0x1;
	s3 =	sadd.s32 s4, s19  }
0x9c: {  	s7 =	simm.s32 $0x0;
	s20 =	sshll.u32 s5, $0x1;
	s5 =	sadd.s32 s21, s3  }
0x9d: {  	[timem:s7], [sflag:s22] =	dma.local [hbm:s5], s20  }
0x9e: {  	_ =	swait.ge [sflag:s22], s20  }
0x9f: {  	s4 =	ssub.s32 $0x0, s20;
	[sflag:s22] =	ssyncset.done $0x0  }
0xa0: {  	[sflag:s22] =	ssyncadd.s32 s4;
	_ =	sdelay $0x1  }
0xa1: {  	s23 =	simm.s32 $0x1B8B  }
0xa2: {  	_ =	swait.ge [sflag:s23], $0x1  }
0xa3: {  	[sflag:s23] =	ssyncset.done $0x0  }
0xa4: {  	s25 =	simm.s32 $0x1B8E;
	s24 =	sld [smem:$0x3FFE];
	[sflag:s23] =	ssyncadd.s32 $0xFFFFFFFF  }
0xa5: {  	s26 =	simm.s32 $execute0_lowered;
	[smem:$0x3FD2] =	sst s25  }
0xa6: {  	s5 =	sshll.u32 s26, $0x1;
	_ =	strace $0x80000046;
	[dreg:$0x1] =	wrdreg $0xFFFFFFFF  }
0xa7: {  	s28 =	simm.s32 $_size_execute0_lowered;
	s3 =	sadd.s32 s3, s5;
	[dreg:$0x0] =	wrdreg $0x0  }
0xa8: {  	s5 =	sshll.u32 s28, $0x1;
	[dreg:$0x2] =	wrdreg s3  }
0xa9: {  	[dreg:$0x3] =	wrdreg s5  }
0xaa: {  	[dreg:$0x4] =	wrdreg $0xC0  }
0xab: {  	_ =	task [dreg:s7], $0x5FFFF  }
0xac: {  	[dreg:$0x1] =	wrdreg $0xFFFFFFFF  }
0xad: {  	[dreg:$0x0] =	wrdreg $0x60  }
0xae: {  	[dreg:$0x2] =	wrdreg s2  }
0xaf: {  	[dreg:$0x3] =	wrdreg s24  }
0xb0: {  	[dreg:$0x4] =	wrdreg $0x91000  }
0xb1: {  	[dreg:$0x5] =	wrdreg $0x1D1000  }
0xb2: {  	[dreg:$0x6] =	wrdreg $0x9  }
0xb3: {  	_ =	task.clear_ibuf [dreg:s7], $0x7FFFF;
	_ =	strace $0x90000046  }
0xb4: {  	s29 =	simm.s32 $0x9;
	_ =	strace $0x80000048  }
0xb5: {  	_ =	swait.ge [sflag:s29], $0x1  }
0xb6: {  	[sflag:s29] =	ssyncadd.s32 $0xFFFFFFFF  }
0xb7: {  	_ =	strace $0x90000048  }
0xb8: {  	_ =	sfence  }
0xb9: {  	s30 =	sld [smem:$0x0];
	_ =	sdelay $0x2  }
0xba: {  	s31 =	sshll.u32 s1, $0xD;
	s1 =	sshrl.u32 s1, $0x2  }
0xbb: {  	s3 =	sand.u32 $0x4000, s31;
	s1 =	sadd.s32 s1, s30  }
0xbc: {  	s0 =	sor.u32 s3, s0;
	s1 =	sshll.u32 s1, $0x11  }
0xbd: {  	s0 =	sor.u32 s1, s0  }
0xbe: {  	s0 =	sadd.s32 $0x8F2B, s0  }
0xbf: {  	[sflag:s0] =	ssyncadd.remote.s32 $0x1  }
0xc0: {  	_ =	sfence.sel $0xFFFF  }
0xc1: {  	[dreg:$0x0] =	wrdreg $0xFFFFFFFF;
	(pc) =	sbr.abs _section_cstart, $3  }
0xc2: {  	[dreg:$0x1] =	wrdreg $0xFFFFFFFF  }
0xc3: {  	_ =	task.clear_ibuf [dreg:s7], $0x2FFFF;
	_ =	strace $0x9FFFFFFF  }
0xc4: {  	(tm) =	ssettm $0x7FFFFFFF  }
0xc5: {  	_ =	shalt  }
tec
execute0_lowered:
.L_overlay_start_1:
0x0: {  	(tag) =	ssettag $0x1  }
0x1: {  	s1 =	rddreg [dreg:$0x0]  }
0x2: {  	s0 =	rddreg [dreg:$0x1]  }
0x3: {  	s3 =	rddreg [dreg:$0x2]  }
0x4: {  	s13 =	stileid.u32;
	s2 =	srdreg.scid  }
0x5: {  	s4 =	rddreg [dreg:$0x3];
	s5 =	simm.s32 $0x0;
	s29 =	simm.s32 $0x4F00  }
0x6: {  	s30 =	simm.s32 $0x1;
	s31 =	simm.s32 $0x40;
	s6 =	smul.u32 $0x4F0, s13  }
0x7: {  	s2 =	sand.u32 $0x1, s2;
	[smem:$0x7FF] =	sst s5;
	s8 =	smul.u32 $0x14000, s13  }
0x8: {  	s9 =	sadd.s32 $0xBA00, s0;
	s21 =	smul.u32 $0x1400, s13;
	s10 =	sadd.s32 $0xBC00, s0  }
0x9: {  	s13 =	smul.u32 $0x50000, s13;
	_ =	strace $0x80000047;
	[dreg:$0x5] =	wrdreg s9  }
0xa: {  	s28 =	simm.s32 $0x0;
	s7 =	smul.u32 $0x140000, s2;
	[dreg:$0x6] =	wrdreg s10  }
0xb: {  	s22 =	ssub.s32 $0x2, s2;
	p0 =	seq.s32 s2, $0x0;
	p1 =	sne.s32 s2, $0x0  }
0xc: {  	s2 =	simm.s32 $0x3;
	s6 =	sadd.s32 s6, s0;
	s11 =	sshrl.u32 s21, $0x3  }
0xd: {  	s12 =	sshrl.u32 s22, $0x1;
	s24 =	sshrl.u32 s13, $0x2;
	s13 =	sadd.s32 s8, s3  }
0xe: {  	s7 =	sadd.s32 s8, s7;
	s14 =	ssub.s32 s22, s12;
	s23 =	sadd.s32 $0x6A00, s6  }
0xf: {  	s6 =	sadd.s32 $0x1A00, s6;
	s10 =	sadd.s32 s24, s3;
	[dreg:$0x7] =	wrdreg s23  }
0x10: {  	s7 =	sshrl.u32 s7, $0x3;
	[dreg:$0x8] =	wrdreg s6;
	s25 =	smax.u32 s14, $0x1  }
0x11: {  	s26 =	sadd.s32 $0x2000, s10;
	s17 =	sadd.s32 $0x4000, s10;
	s18 =	sadd.s32 $0x6000, s10  }
0x12: {  	s19 =	sadd.s32 $0x8000, s10;
	s20 =	sadd.s32 $0xA000, s10;
	s22 =	sadd.s32 $0xE000, s10  }
0x13: {  	s23 =	sadd.s32 $0x10000, s10;
	s24 =	sadd.s32 $0x12000, s10;
	s7 =	sadd.s32 s7, s0  }
0x14: {  	s0 =	sadd.s32 s11, s0;
	s11 =	sadd.s32 s21, s4;
	[dreg:$0xa] =	wrdreg s25  }
0x15: {  	[dreg:$0xb] =	wrdreg s26;
	s21 =	sadd.s32 $0xC000, s10;
	s0 =	sadd.s32 $0xC000, s0  }
0x16: {  	v0 =	vimm.f32 $0.0e+00;
	s25 =	simm.s32 $0x2;
	s12 =	sadd.s32 $0xE800, s7;
	[dreg:$0x9] =	wrdreg s0  }
.LBB2_1:
0x17: {  	s0 =	rddreg [dreg:$0x7]  }
0x18: {  	[tilespmem:s5], [sflag:$0x2] =	stream.linear.gather [hbm4b:s0+s5], $0x2780, $0x38;
	[tilespmem:$0x1E500] =	vst v63  }
0x19: {  	_ =	swait.ge [sflag:s25], $0x2780  }
0x1a: {  	[sflag:s25] =	ssyncset.done $0x0  }
0x1b: {  	s6 =	simm.s32 $0x2780;
	s15 =	rddreg [dreg:$0x8];
	[sflag:s25] =	ssyncadd.s32 $0xFFFFD880  }
0x1c: {  	[tilespmem:s6], [sflag:$0x2] =	stream.linear.gather [hbm4b:s15+s5], $0x2780, $0x38;
	[tilespmem:$0x1E500] =	vst v63  }
0x1d: {  	_ =	swait.ge [sflag:s25], $0x2780  }
0x1e: {  	s26 =	simm.s32 $0x8F00;
	[sflag:s25] =	ssyncset.done $0x0  }
.Ltmp0:
0x1f: {  	s16 =	rddreg [dreg:$0x5];
	[sflag:s25] =	ssyncadd.s32 $0xFFFFD880;
	(pc) =	sbr.rel @p0 .LBB2_5-.Ltmp0, $4  }
0x20: {  	[tilespmem:s26], [sflag:$0x2] =	stream.linear.gather [hbm4b:s16+s5], $0x200, $0x38;
	[tilespmem:$0x1E500] =	vst v63  }
0x21: {  	_ =	swait.ge [sflag:s25], $0x200  }
0x22: {  	[sflag:s25] =	ssyncset.done $0x0  }
0x23: {  	[sflag:s25] =	ssyncadd.s32 $0xFFFFFE00  }
0x24: {  	s0 =	simm.s32 $0x0  }
0x25: {  	v3 =	vld [tilespmem:s0+$0x0]  }
0x26: {  	v2 =	vld [tilespmem:s0+$0x10]  }
0x27: {  	s6 =	simm.s32 $0x100;
	v1 =	vld [tilespmem:s0+$0x20]  }
.LBB2_3:
0x28: {  	p2 =	sne.s32 s6, $0x9D00;
	v4 =	vld [tilespmem:s0+$0x30];
	_ =	sdelay $0x1  }
.Ltmp1:
0x29: {  	v3 =	vadd.s32 $0x2710, v3;
	(pc) =	sbr.rel @p2 .LBB2_3-.Ltmp1, $4  }
0x2a: {  	s7 =	sshra.s32 s6, $0x2;
	[tilespmem:s0+$0x0] =	vst v3;
	v2 =	vadd.s32 $0x2710, v2  }
0x2b: {  	v3 =	vld [tilespmem:s7+$0x0];
	[tilespmem:s0+$0x10] =	vst v2;
	v1 =	vadd.s32 $0x2710, v1  }
0x2c: {  	v2 =	vld [tilespmem:s7+$0x10];
	[tilespmem:s0+$0x20] =	vst v1;
	v4 =	vadd.s32 $0x2710, v4  }
0x2d: {  	s6 =	sadd.s32 $0x100, s6;
	v1 =	vld [tilespmem:s7+$0x20];
	[tilespmem:s0+$0x30] =	vst v4;
	s0 =	smov.u32 s7  }
0x2e: {  	v4 =	vld [tilespmem:s0+$0x30];
	_ =	sdelay $0x1  }
0x2f: {  	v3 =	vadd.s32 $0x2710, v3  }
0x30: {  	[tilespmem:s0+$0x0] =	vst v3;
	v2 =	vadd.s32 $0x2710, v2  }
0x31: {  	[tilespmem:s0+$0x10] =	vst v2;
	v1 =	vadd.s32 $0x2710, v1  }
0x32: {  	[tilespmem:s0+$0x20] =	vst v1;
	v1 =	vadd.s32 $0x2710, v4  }
0x33: {  	[tilespmem:s0+$0x30] =	vst v1  }
.LBB2_5:
0x34: {  	s0 =	simm.s32 $0x0;
	s6 =	simm.s32 $0x200  }
.LBB2_6:
0x35: {  	p2 =	sne.s32 s6, $0x7E00;
	[tilespmem:s0+$0x4F70] =	vst v0  }
0x36: {  	[tilespmem:s0+$0x4F00] =	vst v0  }
0x37: {  	[tilespmem:s0+$0x4F10] =	vst v0  }
.Ltmp2:
0x38: {  	[tilespmem:s0+$0x4F20] =	vst v0;
	(pc) =	sbr.rel @p2 .LBB2_6-.Ltmp2, $4  }
0x39: {  	[tilespmem:s0+$0x4F30] =	vst v0  }
0x3a: {  	[tilespmem:s0+$0x4F40] =	vst v0  }
0x3b: {  	[tilespmem:s0+$0x4F50] =	vst v0  }
0x3c: {  	[tilespmem:s0+$0x4F60] =	vst v0;
	s0 =	sshra.s32 s6, $0x2;
	s6 =	sadd.s32 $0x200, s6  }
0x3d: {  	[tilespmem:s0+$0x4F70] =	vst v0  }
0x3e: {  	[tilespmem:s0+$0x4F00] =	vst v0  }
0x3f: {  	[tilespmem:s0+$0x4F10] =	vst v0  }
0x40: {  	[tilespmem:s0+$0x4F20] =	vst v0  }
0x41: {  	[tilespmem:s0+$0x4F30] =	vst v0  }
0x42: {  	[tilespmem:s0+$0x4F40] =	vst v0  }
0x43: {  	[tilespmem:s0+$0x4F50] =	vst v0  }
0x44: {  	[tilespmem:s0+$0x4F60] =	vst v0  }
0x45: {  	[spmem:s10] =	stream.linear.scatter [tilespmem:s29], [sflag:$0x2], $0x2000, $0x38;
	[tilespmem:$0x1E500] =	vst v63  }
0x46: {  	_ =	swait.ge [sflag:s25], $0x2000  }
0x47: {  	[sflag:s25] =	ssyncset.done $0x0  }
0x48: {  	s8 =	rddreg [dreg:$0xb];
	[sflag:s25] =	ssyncadd.s32 $0xFFFFE000  }
0x49: {  	[spmem:s8] =	stream.linear.scatter [tilespmem:s29], [sflag:$0x2], $0x2000, $0x38;
	[tilespmem:$0x1E500] =	vst v63  }
0x4a: {  	_ =	swait.ge [sflag:s25], $0x2000  }
0x4b: {  	[sflag:s25] =	ssyncset.done $0x0  }
0x4c: {  	[sflag:s25] =	ssyncadd.s32 $0xFFFFE000  }
0x4d: {  	[spmem:s17] =	stream.linear.scatter [tilespmem:s29], [sflag:$0x2], $0x2000, $0x38;
	[tilespmem:$0x1E500] =	vst v63  }
0x4e: {  	_ =	swait.ge [sflag:s25], $0x2000  }
0x4f: {  	[sflag:s25] =	ssyncset.done $0x0  }
0x50: {  	[sflag:s25] =	ssyncadd.s32 $0xFFFFE000  }
0x51: {  	[spmem:s18] =	stream.linear.scatter [tilespmem:s29], [sflag:$0x2], $0x2000, $0x38;
	[tilespmem:$0x1E500] =	vst v63  }
0x52: {  	_ =	swait.ge [sflag:s25], $0x2000  }
0x53: {  	[sflag:s25] =	ssyncset.done $0x0  }
0x54: {  	[sflag:s25] =	ssyncadd.s32 $0xFFFFE000  }
0x55: {  	[spmem:s19] =	stream.linear.scatter [tilespmem:s29], [sflag:$0x2], $0x2000, $0x38;
	[tilespmem:$0x1E500] =	vst v63  }
0x56: {  	_ =	swait.ge [sflag:s25], $0x2000  }
0x57: {  	[sflag:s25] =	ssyncset.done $0x0  }
0x58: {  	[sflag:s25] =	ssyncadd.s32 $0xFFFFE000  }
0x59: {  	[spmem:s20] =	stream.linear.scatter [tilespmem:s29], [sflag:$0x2], $0x2000, $0x38;
	[tilespmem:$0x1E500] =	vst v63  }
0x5a: {  	_ =	swait.ge [sflag:s25], $0x2000  }
0x5b: {  	[sflag:s25] =	ssyncset.done $0x0  }
0x5c: {  	[sflag:s25] =	ssyncadd.s32 $0xFFFFE000  }
0x5d: {  	[spmem:s21] =	stream.linear.scatter [tilespmem:s29], [sflag:$0x2], $0x2000, $0x38;
	[tilespmem:$0x1E500] =	vst v63  }
0x5e: {  	_ =	swait.ge [sflag:s25], $0x2000  }
0x5f: {  	[sflag:s25] =	ssyncset.done $0x0  }
0x60: {  	[sflag:s25] =	ssyncadd.s32 $0xFFFFE000  }
0x61: {  	[spmem:s22] =	stream.linear.scatter [tilespmem:s29], [sflag:$0x2], $0x2000, $0x38;
	[tilespmem:$0x1E500] =	vst v63  }
0x62: {  	_ =	swait.ge [sflag:s25], $0x2000  }
0x63: {  	[sflag:s25] =	ssyncset.done $0x0  }
0x64: {  	[sflag:s25] =	ssyncadd.s32 $0xFFFFE000  }
0x65: {  	[spmem:s23] =	stream.linear.scatter [tilespmem:s29], [sflag:$0x2], $0x2000, $0x38;
	[tilespmem:$0x1E500] =	vst v63  }
0x66: {  	_ =	swait.ge [sflag:s25], $0x2000  }
0x67: {  	[sflag:s25] =	ssyncset.done $0x0  }
0x68: {  	[sflag:s25] =	ssyncadd.s32 $0xFFFFE000  }
0x69: {  	[spmem:s24] =	stream.linear.scatter [tilespmem:s29], [sflag:$0x2], $0x2000, $0x38;
	[tilespmem:$0x1E500] =	vst v63  }
0x6a: {  	s9 =	stileid.u32;
	_ =	swait.ge [sflag:s25], $0x2000  }
0x6b: {  	s6 =	sshrl.u32 s11, $0x3;
	s0 =	sshll.u32 s9, $0x6;
	[sflag:s25] =	ssyncset.done $0x0  }
0x6c: {  	s0 =	sor.u32 $0x1C02, s0;
	s7 =	rddreg [dreg:$0x6];
	[sflag:s25] =	ssyncadd.s32 $0xFFFFE000  }
0x6d: {  	[spmem:s6], [sflag:s0] =	dma.local [hbm:s7], $0x280  }
0x6e: {  	_ =	swait.ge [sflag:s25], $0x280  }
0x6f: {  	[sflag:s25] =	ssyncset.done $0x0  }
0x70: {  	[sflag:s25] =	ssyncadd.s32 $0xFFFFFD80  }
0x71: {  	s14 =	simm.s32 $0x40;
	s15 =	simm.s32 $0x0;
	[bflag:$0x0] =	sbarrier.arrive $0xFFFF  }
0x72: {  	[tilespmem:s29], [sflag:$0x1] =	stream.indirect.gather [hbm4b:s1+s14], $0x80, s15, s14, $0xb8;
	[tilespmem:$0x1E500] =	vst v63  }
0x73: {  	s16 =	simm.s32 $0x0;
	_ =	swait.ge [sflag:s30], $0x2000  }
0x74: {  	s7 =	sand.u32 $0x2000, s16;
	[sflag:s30] =	ssyncset.done $0x0  }
0x75: {  	s8 =	sxor.u32 $0x6F00, s7;
	[sflag:s30] =	ssyncadd.s32 $0xFFFFE000  }
0x76: {  	[tilespmem:s8], [sflag:$0x1] =	stream.indirect.gather [hbm4b:s1+s31], $0x80, s14, s31, $0xb8;
	[tilespmem:$0x1E500] =	vst v63  }
0x77: {  	s26 =	sor.u32 $0x4F00, s7;
	s8 =	simm.s32 $0x2780  }
0x78: {  	[spmem:s3] =	stream.indirect.scatter.add.f32 [tilespmem:s26], [sflag:$0x3], $0x80, s8, s31, $0xb8;
	[tilespmem:$0x1E500] =	vst v63  }
0x79: {  	_ =	swait.ge [sflag:s2], $0x2000  }
0x7a: {  	s6 =	simm.s32 @!p1 $0x40;
	[sflag:s2] =	ssyncset.done $0x0  }
0x7b: {  	s7 =	simm.s32 @!p1 $0x8F00;
	s26 =	simm.s32 @!p1 $0x2;
	[sflag:s2] =	ssyncadd.s32 $0xFFFFE000  }
0x7c: {  	[spmem:s4] =	stream.indirect.scatter.add.f32 @!p1 [tilespmem:s7], [sflag:$0x2], $0x8, s8, s6, $0xb8;
	[tilespmem:$0x1E500] =	vst v63  }
0x7d: {  	_ =	swait.ge @!p1 [sflag:s26], $0x200  }
0x7e: {  	s9 =	simm.s32 $0x1;
	s14 =	simm.s32 $0x80;
	[sflag:s26] =	ssyncset.done @!p1 $0x0  }
.LBB2_8:
0x7f: {  	[sflag:s26] =	ssyncadd.s32 @!p1 $0xFFFFFE00  }
0x80: {  	s8 =	sadd.s32 $0x40, s8;
	s15 =	smov.u32 s9;
	s9 =	sadd.s32 $0x1, s9  }
0x81: {  	s15 =	sshll.u32 s15, $0xD;
	_ =	swait.ge [sflag:s30], $0x2000;
	p2 =	sne.s32 s9, $0x9D  }
0x82: {  	s15 =	sand.u32 $0x2000, s15;
	[sflag:s30] =	ssyncset.done $0x0  }
0x83: {  	[sflag:s30] =	ssyncadd.s32 $0xFFFFE000;
	s16 =	sxor.u32 $0x6F00, s15  }
0x84: {  	[tilespmem:s16], [sflag:$0x1] =	stream.indirect.gather [hbm4b:s1+s31], $0x80, s14, s31, $0xb8;
	[tilespmem:$0x1E500] =	vst v63  }
0x85: {  	s15 =	sor.u32 $0x4F00, s15  }
0x86: {  	[spmem:s3] =	stream.indirect.scatter.add.f32 [tilespmem:s15], [sflag:$0x3], $0x80, s8, s31, $0xb8;
	[tilespmem:$0x1E500] =	vst v63  }
0x87: {  	_ =	swait.ge [sflag:s2], $0x2000  }
.Ltmp3:
0x88: {  	[sflag:s2] =	ssyncset.done $0x0;
	(pc) =	sbr.rel @p2 .LBB2_8-.Ltmp3, $4  }
0x89: {  	[sflag:s2] =	ssyncadd.s32 $0xFFFFE000  }
0x8a: {  	[spmem:s4] =	stream.indirect.scatter.add.f32 @!p1 [tilespmem:s7], [sflag:$0x2], $0x8, s8, s6, $0xb8;
	[tilespmem:$0x1E500] =	vst v63  }
0x8b: {  	_ =	swait.ge @!p1 [sflag:s26], $0x200  }
0x8c: {  	s14 =	sadd.s32 $0x40, s14;
	[sflag:s26] =	ssyncset.done @!p1 $0x0  }
0x8d: {  	[sflag:s26] =	ssyncadd.s32 @!p1 $0xFFFFFE00  }
0x8e: {  	_ =	swait.ge [sflag:s30], $0x2000  }
0x8f: {  	[sflag:s30] =	ssyncset.done $0x0  }
0x90: {  	s8 =	simm.s32 $0x4EC0;
	s9 =	simm.s32 $0x6F00;
	[sflag:s30] =	ssyncadd.s32 $0xFFFFE000  }
0x91: {  	[spmem:s3] =	stream.indirect.scatter.add.f32 [tilespmem:s9], [sflag:$0x3], $0x80, s8, s31, $0xb8;
	[tilespmem:$0x1E500] =	vst v63  }
0x92: {  	_ =	swait.ge [sflag:s2], $0x2000  }
0x93: {  	[sflag:s2] =	ssyncset.done $0x0  }
0x94: {  	[sflag:s2] =	ssyncadd.s32 $0xFFFFE000  }
0x95: {  	s8 =	sshrl.u32 @p1 s13, $0x3;
	[bflag:$0x0] =	sbarrier.arrive @p1 $0xFFFF  }
0x96: {  	[hbm:s12], [sflag:s0] =	dma.local @p1 [spmem:s8], $0x2800  }
0x97: {  	s8 =	simm.s32 @p1 $0x2  }
0x98: {  	_ =	swait.ge @p1 [sflag:s8], $0x2800  }
0x99: {  	[sflag:s8] =	ssyncset.done @p1 $0x0  }
0x9a: {  	[sflag:s8] =	ssyncadd.s32 @p1 $0xFFFFD800;
	s8 =	simm.s32 @!p1 $0x4EC0  }
0x9b: {  	[spmem:s4] =	stream.indirect.scatter.add.f32 @!p1 [tilespmem:s7], [sflag:$0x2], $0x8, s8, s6, $0xb8;
	[tilespmem:$0x1E500] =	vst v63  }
0x9c: {  	_ =	swait.ge @!p1 [sflag:s26], $0x200  }
0x9d: {  	[sflag:s26] =	ssyncset.done @!p1 $0x0  }
0x9e: {  	[sflag:s26] =	ssyncadd.s32 @!p1 $0xFFFFFE00  }
0x9f: {  	s6 =	sshrl.u32 @!p1 s13, $0x3;
	[bflag:$0x0] =	sbarrier.arrive @!p1 $0xFFFF  }
0xa0: {  	[hbm:s12], [sflag:s0] =	dma.local @!p1 [spmem:s6], $0x2800  }
0xa1: {  	_ =	swait.ge @!p1 [sflag:s26], $0x2800  }
0xa2: {  	[sflag:s26] =	ssyncset.done @!p1 $0x0  }
0xa3: {  	s6 =	sshrl.u32 @!p1 s11, $0x3;
	s7 =	rddreg [dreg:$0x9];
	[sflag:s26] =	ssyncadd.s32 @!p1 $0xFFFFD800  }
0xa4: {  	[hbm:s7], [sflag:s0] =	dma.local @!p1 [spmem:s6], $0x280  }
0xa5: {  	_ =	swait.ge @!p1 [sflag:s26], $0x280  }
0xa6: {  	s28 =	sadd.s32 $0x1, s28;
	s16 =	rddreg [dreg:$0xa]  }
0xa7: {  	p2 =	sne.s32 s28, s16  }
.Ltmp4:
0xa8: {  	_ = 	snop;
	(pc) =	sbr.rel @p2 .LBB2_1-.Ltmp4, $3  }
0xa9: {  	_ =	sdelay $0x1  }
0xaa: {  	[sflag:s26] =	ssyncset.done @!p1 $0x0  }
0xab: {  	[sflag:s26] =	ssyncadd.s32 @!p1 $0xFFFFFD80  }
0xac: {  	_ =	sfence.sel $0x180000  }
0xad: {  	[bflag:$0x0] =	sbarrier.arrive $0xFFFF  }
0xae: {  	_ =	strace $0x90000047  }
0xaf: {  	s0 =	stileid.u32;
	[bflag:$0x2] =	sbarrier.arrive $0xFFFF  }
0xb0: {  	p0 =	sne.s32 s0, $0x0;
	s0 =	rddreg [dreg:$0x4]  }
0xb1: {  	s0 =	sadd.s32 @!p0 $0x100000, s0  }
0xb2: {  	[sflag:s0] =	ssyncadd.tile.s32 @!p0 $0x1;
	_ =	shalt  }
.Lfunc_end2:
_tile_overlayer_lowered:
.L_overlay_start_2:
0xb3: {  	(tag) =	ssettag $0x2  }
0xb4: {  	s0 =	rddreg [dreg:$0x0];
	s2 =	stileid.u32  }
0xb5: {  	s1 =	rddreg [dreg:$0x1];
	p0 =	sne.s32 s2, $0x0  }
0xb6: {  	s3 =	rddreg [dreg:$0x2];
	[bflag:$0x3] =	sbarrier.arrive $0xFFFF;
	s2 =	simm.s32 @!p0 $0x1C02  }
0xb7: {  	[timem:s3], [sflag:s2] =	dma.local @!p0 [hbm:s0], s1  }
0xb8: {  	s0 =	simm.s32 @!p0 $0x2  }
0xb9: {  	_ =	swait.ge @!p0 [sflag:s0], s1  }
0xba: {  	s1 =	ssub.s32 @!p0 $0x0, s1;
	[sflag:s0] =	ssyncset.done @!p0 $0x0  }
0xbb: {  	[sflag:s0] =	ssyncadd.s32 @!p0 s1  }
0xbc: {  	[bflag:$0x3] =	sbarrier.arrive $0xFFFF  }
0xbd: {  	_ =	shalt  }

// kernel: kernel.9.cloned.1.call-start
scs
__scs_entry_jumppad:
0x0: {  	(pc) =	sbr.rel $0x88, $3  }
0x1: {  	(tag) =	ssettag $0x0;
	lr =	simm.s32 $0x1  }
0x2: {  	[smem:$0x3F99] =	sst lr;
	_ =	strace $0xD0000000  }
0x3: {  	_ = 	snop  }
0x4: {  	_ = 	snop  }
0x5: {  	_ = 	snop  }
0x6: {  	_ = 	snop  }
0x7: {  	_ = 	snop  }
__scs_overlays_trampoline_lowered:
0x8: {  	[smem:$0x3FA8] =	sst s0  }
0x9: {  	[smem:$0x3FA9] =	sst s1  }
0xa: {  	[smem:$0x3FAA] =	sst s2  }
0xb: {  	[smem:$0x3FAB] =	sst s3  }
0xc: {  	[smem:$0x3FAC] =	sst s4  }
0xd: {  	[smem:$0x3FAD] =	sst s5  }
0xe: {  	[smem:$0x3FAE] =	sst s6  }
0xf: {  	[smem:$0x3FAF] =	sst s7  }
0x10: {  	[smem:$0x3FB0] =	sst s8  }
0x11: {  	[smem:$0x3FB1] =	sst s9;
	s0 =	simm.s32 @!p0 $0x0  }
0x12: {  	s1 =	sld [smem:$0x3F97];
	s0 =	simm.s32 @p0 $0x1  }
0x13: {  	[smem:$0x3FB2] =	sst s0;
	s0 =	simm.s32 @!p1 $0x0  }
0x14: {  	s2 =	sld [smem:$0x3F96];
	s0 =	simm.s32 @p1 $0x1  }
0x15: {  	[smem:$0x3FB3] =	sst s0;
	s0 =	simm.s32 @!p2 $0x0  }
0x16: {  	s3 =	sld [smem:$0x3FDB];
	s0 =	simm.s32 @p2 $0x1  }
0x17: {  	s4 =	simm.s32 $0x1BF5;
	[smem:$0x3FB5] =	sst s0  }
0x18: {  	s0 =	sld [smem:$0x3F98];
	_ =	swait.ge [sflag:s4], $0x0  }
0x19: {  	s7 =	sld [smem:$0x3F99]  }
0x1a: {  	s8 =	sadd.s32 $0xFFFFE003, lr  }
0x1b: {  	s9 =	sadd.s32 $0xFFFFFEF7, lr;
	s5 =	simm.s32 $0xFFFFFFFF;
	p2 =	slt.u32 s8, $0xFFFFF086  }
0x1c: {  	p1 =	slt.u32 s9, $0xF7A;
	s5 =	simm.s32 @!p2 $0x0  }
0x1d: {  	s5 =	simm.s32 @p1 $0x1;
	p0 =	seq.s32 s7, s2  }
0x1e: {  	s7 =	smul.u32 @!p0 $0xF7A, s2;
	p2 =	seq.s32 @!p0 s5, $0x0  }
0x1f: {  	s9 =	smul.u32 $0xF7A, s1;
	s8 =	simm.s32 @!p0 $0x1BF5;
	p2 =	por !p2, p0  }
0x20: {  	[sflag:s8] =	ssyncset.s32 @!p0 $0xFFFFF086;
	s6 =	sadd.s32 @!p0 s3, s7;
	s7 =	simm.s32 @!p0 $0x108  }
0x21: {  	s3 =	sadd.s32 s3, s9;
	s6 =	sadd.s32 @!p0 $0x88, s6;
	s7 =	simm.s32 @p2 $0x1082  }
0x22: {  	[simem:s7], [sflag:s8] =	dma.local @!p0 [hbm:s6], $0xF7A  }
0x23: {  	s9 =	sor.u32 $0xD0000000, s2;
	s6 =	simm.s32 $0x108;
	_ =	swait.ge @!p0 [sflag:s8], $0x0  }
0x24: {  	s3 =	sadd.s32 $0x88, s3;
	s6 =	simm.s32 @!p1 $0x1082;
	[sflag:s4] =	ssyncset.s32 $0xFFFFF086  }
0x25: {  	[simem:s6], [sflag:s4] =	dma.local [hbm:s3], $0xF7A  }
0x26: {  	[smem:$0x3F99] =	sst s1;
	(tag) =	ssettag s2;
	_ =	strace s9  }
0x27: {  	s1 =	sld [smem:$0x3FA9]  }
0x28: {  	s2 =	sld [smem:$0x3FAA]  }
0x29: {  	s4 =	sld [smem:$0x3FAC]  }
0x2a: {  	p0 =	seq.s32 s5, $0x0;
	s5 =	sld [smem:$0x3FAD]  }
0x2b: {  	s6 =	sld [smem:$0x3FAE]  }
0x2c: {  	s7 =	sld [smem:$0x3FAF]  }
0x2d: {  	s3 =	simm.s32 $0x108;
	s8 =	sld [smem:$0x3FB0]  }
0x2e: {  	s3 =	simm.s32 @!p0 $0x1082;
	s9 =	sld [smem:$0x3FB1]  }
0x2f: {  	lr =	sadd.s32 s0, s3;
	s0 =	sld [smem:$0x3FA8]  }
0x30: {  	s3 =	sld [smem:$0x3FAB]  }
0x31: {  	[smem:$0x3FB4] =	sst s10  }
0x32: {  	s10 =	sld [smem:$0x3FB2];
	_ =	sdelay $0x3  }
0x33: {  	p0 =	seq.s32 s10, $0x1;
	s10 =	sld [smem:$0x3FB4];
	_ =	sdelay $0x3  }
0x34: {  	[smem:$0x3FB4] =	sst s10  }
0x35: {  	s10 =	sld [smem:$0x3FB3];
	_ =	sdelay $0x3  }
0x36: {  	p1 =	seq.s32 s10, $0x1;
	s10 =	sld [smem:$0x3FB4];
	_ =	sdelay $0x3  }
0x37: {  	[smem:$0x3FB4] =	sst s10  }
0x38: {  	s10 =	sld [smem:$0x3FB5]  }
0x39: {  	_ = 	snop;
	(pc) =	sbr.ind lr, $3  }
0x3a: {  	_ = 	snop  }
0x3b: {  	_ = 	snop  }
0x3c: {  	p2 =	seq.s32 s10, $0x1;
	s10 =	sld [smem:$0x3FB4]  }
0x3d: {  	_ =	shalt  }
0x3e: {  	_ =	shalt  }
0x3f: {  	_ =	shalt  }
0x40: {  	_ =	shalt  }
0x41: {  	_ =	shalt  }
0x42: {  	_ =	shalt  }
0x43: {  	_ =	shalt  }
0x44: {  	_ =	shalt  }
0x45: {  	_ =	shalt  }
0x46: {  	_ =	shalt  }
0x47: {  	_ =	shalt  }
0x48: {  	_ =	shalt  }
0x49: {  	_ =	shalt  }
0x4a: {  	_ =	shalt  }
0x4b: {  	_ =	shalt  }
0x4c: {  	_ =	shalt  }
0x4d: {  	_ =	shalt  }
0x4e: {  	_ =	shalt  }
0x4f: {  	_ =	shalt  }
0x50: {  	_ =	shalt  }
0x51: {  	_ =	shalt  }
0x52: {  	_ =	shalt  }
0x53: {  	_ =	shalt  }
0x54: {  	_ =	shalt  }
0x55: {  	_ =	shalt  }
0x56: {  	_ =	shalt  }
0x57: {  	_ =	shalt  }
0x58: {  	_ =	shalt  }
0x59: {  	_ =	shalt  }
0x5a: {  	_ =	shalt  }
0x5b: {  	_ =	shalt  }
0x5c: {  	_ =	shalt  }
0x5d: {  	_ =	shalt  }
0x5e: {  	_ =	shalt  }
0x5f: {  	_ =	shalt  }
0x60: {  	_ =	shalt  }
0x61: {  	_ =	shalt  }
0x62: {  	_ =	shalt  }
0x63: {  	_ =	shalt  }
0x64: {  	_ =	shalt  }
0x65: {  	_ =	shalt  }
0x66: {  	_ =	shalt  }
0x67: {  	_ =	shalt  }
0x68: {  	_ =	shalt  }
0x69: {  	_ =	shalt  }
0x6a: {  	_ =	shalt  }
0x6b: {  	_ =	shalt  }
0x6c: {  	_ =	shalt  }
0x6d: {  	_ =	shalt  }
0x6e: {  	_ =	shalt  }
0x6f: {  	_ =	shalt  }
0x70: {  	_ =	shalt  }
0x71: {  	_ =	shalt  }
0x72: {  	_ =	shalt  }
0x73: {  	_ =	shalt  }
0x74: {  	_ =	shalt  }
0x75: {  	_ =	shalt  }
0x76: {  	_ =	shalt  }
0x77: {  	_ =	shalt  }
0x78: {  	_ =	shalt  }
0x79: {  	_ =	shalt  }
0x7a: {  	_ =	shalt  }
0x7b: {  	_ =	shalt  }
0x7c: {  	_ =	shalt  }
0x7d: {  	_ =	shalt  }
0x7e: {  	_ =	shalt  }
0x7f: {  	_ =	shalt  }
0x80: {  	_ =	shalt  }
0x81: {  	_ =	shalt  }
0x82: {  	_ =	shalt  }
0x83: {  	_ =	shalt  }
0x84: {  	_ =	shalt  }
0x85: {  	_ =	shalt  }
0x86: {  	_ =	shalt  }
0x87: {  	_ =	shalt  }
.Lfunc_end0:
.L_simem_size_0:
called_computation.1_lowered:
.L_overlay_start_0:
0x88: {  	s2 =	sld [smem:$0x3FD9]  }
0x89: {  	s3 =	sld [smem:$0x3FFE];
	_ =	sdelay $0x1  }
0x8a: {  	s1 =	srdreg.scid  }
0x8b: {  	s0 =	sand.u32 $0x1, s1  }
0x8c: {  	s17 =	sshll.u32 s0, $0xA;
	s2 =	sadd.s32 s3, s2  }
0x8d: {  	s2 =	sadd.s32 s2, s17  }
0x8e: {  	[smem:$0x3FC0] =	sst s2  }
0x8f: {  	_ = 	snop  }
0x90: {  	s2 =	sld [smem:$0x3FD0];
	(tm) =	ssettm $0x1  }
0x91: {  	s18 =	sld [smem:$0x3FFB];
	_ =	sdelay $0x3  }
0x92: {  	_ =	strace s18  }
0x93: {  	s3 =	sld [smem:$0x3FFC];
	_ =	sdelay $0x3  }
0x94: {  	_ =	strace s3  }
0x95: {  	s3 =	sld [smem:$0x3FFD];
	_ =	sdelay $0x3  }
0x96: {  	_ =	strace s3  }
0x97: {  	_ =	strace $0x8FFFFFFF  }
0x98: {  	s19 =	sld [smem:$0x3FDB];
	_ =	sdelay $0x1  }
0x99: {  	s4 =	simm.s32 $_scs_section_size  }
0x9a: {  	s5 =	simm.s32 $_size__tile_overlayer_lowered;
	s6 =	simm.s32 $_tile_overlayer_lowered  }
0x9b: {  	s22 =	simm.s32 $0x1BFF;
	s21 =	sshll.u32 s6, $0x1;
	s3 =	sadd.s32 s4, s19  }
0x9c: {  	s7 =	simm.s32 $0x0;
	s20 =	sshll.u32 s5, $0x1;
	s5 =	sadd.s32 s21, s3  }
0x9d: {  	[timem:s7], [sflag:s22] =	dma.local [hbm:s5], s20  }
0x9e: {  	_ =	swait.ge [sflag:s22], s20  }
0x9f: {  	s4 =	ssub.s32 $0x0, s20;
	[sflag:s22] =	ssyncset.done $0x0  }
0xa0: {  	[sflag:s22] =	ssyncadd.s32 s4;
	_ =	sdelay $0x1  }
0xa1: {  	s23 =	simm.s32 $0x1B8B  }
0xa2: {  	_ =	swait.ge [sflag:s23], $0x1  }
0xa3: {  	[sflag:s23] =	ssyncset.done $0x0  }
0xa4: {  	s25 =	simm.s32 $0x1B8E;
	s24 =	sld [smem:$0x3FFE];
	[sflag:s23] =	ssyncadd.s32 $0xFFFFFFFF  }
0xa5: {  	s26 =	simm.s32 $execute0_lowered;
	[smem:$0x3FD2] =	sst s25  }
0xa6: {  	s5 =	sshll.u32 s26, $0x1;
	_ =	strace $0x80000049;
	[dreg:$0x1] =	wrdreg $0xFFFFFFFF  }
0xa7: {  	s28 =	simm.s32 $_size_execute0_lowered;
	s3 =	sadd.s32 s3, s5;
	[dreg:$0x0] =	wrdreg $0x0  }
0xa8: {  	s5 =	sshll.u32 s28, $0x1;
	[dreg:$0x2] =	wrdreg s3  }
0xa9: {  	[dreg:$0x3] =	wrdreg s5  }
0xaa: {  	[dreg:$0x4] =	wrdreg $0xC0  }
0xab: {  	_ =	task [dreg:s7], $0x5FFFF  }
0xac: {  	[dreg:$0x1] =	wrdreg $0xFFFFFFFF  }
0xad: {  	[dreg:$0x0] =	wrdreg $0x60  }
0xae: {  	[dreg:$0x2] =	wrdreg s2  }
0xaf: {  	[dreg:$0x3] =	wrdreg s24  }
0xb0: {  	[dreg:$0x4] =	wrdreg $0x91000  }
0xb1: {  	[dreg:$0x5] =	wrdreg $0x1D1000  }
0xb2: {  	[dreg:$0x6] =	wrdreg $0x9  }
0xb3: {  	_ =	task.clear_ibuf [dreg:s7], $0x7FFFF;
	_ =	strace $0x90000049  }
0xb4: {  	s29 =	simm.s32 $0x9;
	_ =	strace $0x8000004B  }
0xb5: {  	_ =	swait.ge [sflag:s29], $0x1  }
0xb6: {  	[sflag:s29] =	ssyncadd.s32 $0xFFFFFFFF  }
0xb7: {  	_ =	strace $0x9000004B  }
0xb8: {  	_ =	sfence  }
0xb9: {  	s30 =	sld [smem:$0x0];
	_ =	sdelay $0x2  }
0xba: {  	s31 =	sshll.u32 s1, $0xD;
	s1 =	sshrl.u32 s1, $0x2  }
0xbb: {  	s3 =	sand.u32 $0x4000, s31;
	s1 =	sadd.s32 s1, s30  }
0xbc: {  	s0 =	sor.u32 s3, s0;
	s1 =	sshll.u32 s1, $0x11  }
0xbd: {  	s0 =	sor.u32 s1, s0  }
0xbe: {  	s0 =	sadd.s32 $0x8F2B, s0  }
0xbf: {  	[sflag:s0] =	ssyncadd.remote.s32 $0x1  }
0xc0: {  	_ =	sfence.sel $0xFFFF  }
0xc1: {  	[dreg:$0x0] =	wrdreg $0xFFFFFFFF;
	(pc) =	sbr.abs _section_cstart, $3  }
0xc2: {  	[dreg:$0x1] =	wrdreg $0xFFFFFFFF  }
0xc3: {  	_ =	task.clear_ibuf [dreg:s7], $0x2FFFF;
	_ =	strace $0x9FFFFFFF  }
0xc4: {  	(tm) =	ssettm $0x7FFFFFFF  }
0xc5: {  	_ =	shalt  }
tec
execute0_lowered:
.L_overlay_start_1:
0x0: {  	(tag) =	ssettag $0x1  }
0x1: {  	s1 =	rddreg [dreg:$0x0]  }
0x2: {  	s0 =	rddreg [dreg:$0x1]  }
0x3: {  	s3 =	rddreg [dreg:$0x2]  }
0x4: {  	s13 =	stileid.u32;
	s2 =	srdreg.scid  }
0x5: {  	s4 =	rddreg [dreg:$0x3];
	s5 =	simm.s32 $0x0;
	s29 =	simm.s32 $0x4F00  }
0x6: {  	s30 =	simm.s32 $0x1;
	s31 =	simm.s32 $0x40;
	s6 =	smul.u32 $0x4F0, s13  }
0x7: {  	s2 =	sand.u32 $0x1, s2;
	[smem:$0x7FF] =	sst s5;
	s8 =	smul.u32 $0x14000, s13  }
0x8: {  	s9 =	sadd.s32 $0xBA00, s0;
	s21 =	smul.u32 $0x1400, s13;
	s10 =	sadd.s32 $0xBC00, s0  }
0x9: {  	s13 =	smul.u32 $0x50000, s13;
	_ =	strace $0x8000004A;
	[dreg:$0x5] =	wrdreg s9  }
0xa: {  	s28 =	simm.s32 $0x0;
	s7 =	smul.u32 $0x140000, s2;
	[dreg:$0x6] =	wrdreg s10  }
0xb: {  	s22 =	ssub.s32 $0x2, s2;
	p0 =	seq.s32 s2, $0x0;
	p1 =	sne.s32 s2, $0x0  }
0xc: {  	s2 =	simm.s32 $0x3;
	s6 =	sadd.s32 s6, s0;
	s11 =	sshrl.u32 s21, $0x3  }
0xd: {  	s12 =	sshrl.u32 s22, $0x1;
	s24 =	sshrl.u32 s13, $0x2;
	s13 =	sadd.s32 s8, s3  }
0xe: {  	s7 =	sadd.s32 s8, s7;
	s14 =	ssub.s32 s22, s12;
	s23 =	sadd.s32 $0x6A00, s6  }
0xf: {  	s6 =	sadd.s32 $0x1A00, s6;
	s10 =	sadd.s32 s24, s3;
	[dreg:$0x7] =	wrdreg s23  }
0x10: {  	s7 =	sshrl.u32 s7, $0x3;
	[dreg:$0x8] =	wrdreg s6;
	s25 =	smax.u32 s14, $0x1  }
0x11: {  	s26 =	sadd.s32 $0x2000, s10;
	s17 =	sadd.s32 $0x4000, s10;
	s18 =	sadd.s32 $0x6000, s10  }
0x12: {  	s19 =	sadd.s32 $0x8000, s10;
	s20 =	sadd.s32 $0xA000, s10;
	s22 =	sadd.s32 $0xE000, s10  }
0x13: {  	s23 =	sadd.s32 $0x10000, s10;
	s24 =	sadd.s32 $0x12000, s10;
	s7 =	sadd.s32 s7, s0  }
0x14: {  	s0 =	sadd.s32 s11, s0;
	s11 =	sadd.s32 s21, s4;
	[dreg:$0xa] =	wrdreg s25  }
0x15: {  	[dreg:$0xb] =	wrdreg s26;
	s21 =	sadd.s32 $0xC000, s10;
	s0 =	sadd.s32 $0xC000, s0  }
0x16: {  	v0 =	vimm.f32 $0.0e+00;
	s25 =	simm.s32 $0x2;
	s12 =	sadd.s32 $0xE800, s7;
	[dreg:$0x9] =	wrdreg s0  }
.LBB2_1:
0x17: {  	s0 =	rddreg [dreg:$0x7]  }
0x18: {  	[tilespmem:s5], [sflag:$0x2] =	stream.linear.gather [hbm4b:s0+s5], $0x2780, $0x38;
	[tilespmem:$0x1E500] =	vst v63  }
0x19: {  	_ =	swait.ge [sflag:s25], $0x2780  }
0x1a: {  	[sflag:s25] =	ssyncset.done $0x0  }
0x1b: {  	s6 =	simm.s32 $0x2780;
	s15 =	rddreg [dreg:$0x8];
	[sflag:s25] =	ssyncadd.s32 $0xFFFFD880  }
0x1c: {  	[tilespmem:s6], [sflag:$0x2] =	stream.linear.gather [hbm4b:s15+s5], $0x2780, $0x38;
	[tilespmem:$0x1E500] =	vst v63  }
0x1d: {  	_ =	swait.ge [sflag:s25], $0x2780  }
0x1e: {  	s26 =	simm.s32 $0x8F00;
	[sflag:s25] =	ssyncset.done $0x0  }
.Ltmp0:
0x1f: {  	s16 =	rddreg [dreg:$0x5];
	[sflag:s25] =	ssyncadd.s32 $0xFFFFD880;
	(pc) =	sbr.rel @p0 .LBB2_5-.Ltmp0, $4  }
0x20: {  	[tilespmem:s26], [sflag:$0x2] =	stream.linear.gather [hbm4b:s16+s5], $0x200, $0x38;
	[tilespmem:$0x1E500] =	vst v63  }
0x21: {  	_ =	swait.ge [sflag:s25], $0x200  }
0x22: {  	[sflag:s25] =	ssyncset.done $0x0  }
0x23: {  	[sflag:s25] =	ssyncadd.s32 $0xFFFFFE00  }
0x24: {  	s0 =	simm.s32 $0x0  }
0x25: {  	v3 =	vld [tilespmem:s0+$0x0]  }
0x26: {  	v2 =	vld [tilespmem:s0+$0x10]  }
0x27: {  	s6 =	simm.s32 $0x100;
	v1 =	vld [tilespmem:s0+$0x20]  }
.LBB2_3:
0x28: {  	p2 =	sne.s32 s6, $0x9D00;
	v4 =	vld [tilespmem:s0+$0x30];
	_ =	sdelay $0x1  }
.Ltmp1:
0x29: {  	v3 =	vadd.s32 $0x2710, v3;
	(pc) =	sbr.rel @p2 .LBB2_3-.Ltmp1, $4  }
0x2a: {  	s7 =	sshra.s32 s6, $0x2;
	[tilespmem:s0+$0x0] =	vst v3;
	v2 =	vadd.s32 $0x2710, v2  }
0x2b: {  	v3 =	vld [tilespmem:s7+$0x0];
	[tilespmem:s0+$0x10] =	vst v2;
	v1 =	vadd.s32 $0x2710, v1  }
0x2c: {  	v2 =	vld [tilespmem:s7+$0x10];
	[tilespmem:s0+$0x20] =	vst v1;
	v4 =	vadd.s32 $0x2710, v4  }
0x2d: {  	s6 =	sadd.s32 $0x100, s6;
	v1 =	vld [tilespmem:s7+$0x20];
	[tilespmem:s0+$0x30] =	vst v4;
	s0 =	smov.u32 s7  }
0x2e: {  	v4 =	vld [tilespmem:s0+$0x30];
	_ =	sdelay $0x1  }
0x2f: {  	v3 =	vadd.s32 $0x2710, v3  }
0x30: {  	[tilespmem:s0+$0x0] =	vst v3;
	v2 =	vadd.s32 $0x2710, v2  }
0x31: {  	[tilespmem:s0+$0x10] =	vst v2;
	v1 =	vadd.s32 $0x2710, v1  }
0x32: {  	[tilespmem:s0+$0x20] =	vst v1;
	v1 =	vadd.s32 $0x2710, v4  }
0x33: {  	[tilespmem:s0+$0x30] =	vst v1  }
.LBB2_5:
0x34: {  	s0 =	simm.s32 $0x0;
	s6 =	simm.s32 $0x200  }
.LBB2_6:
0x35: {  	p2 =	sne.s32 s6, $0x7E00;
	[tilespmem:s0+$0x4F70] =	vst v0  }
0x36: {  	[tilespmem:s0+$0x4F00] =	vst v0  }
0x37: {  	[tilespmem:s0+$0x4F10] =	vst v0  }
.Ltmp2:
0x38: {  	[tilespmem:s0+$0x4F20] =	vst v0;
	(pc) =	sbr.rel @p2 .LBB2_6-.Ltmp2, $4  }
0x39: {  	[tilespmem:s0+$0x4F30] =	vst v0  }
0x3a: {  	[tilespmem:s0+$0x4F40] =	vst v0  }
0x3b: {  	[tilespmem:s0+$0x4F50] =	vst v0  }
0x3c: {  	[tilespmem:s0+$0x4F60] =	vst v0;
	s0 =	sshra.s32 s6, $0x2;
	s6 =	sadd.s32 $0x200, s6  }
0x3d: {  	[tilespmem:s0+$0x4F70] =	vst v0  }
0x3e: {  	[tilespmem:s0+$0x4F00] =	vst v0  }
0x3f: {  	[tilespmem:s0+$0x4F10] =	vst v0  }
0x40: {  	[tilespmem:s0+$0x4F20] =	vst v0  }
0x41: {  	[tilespmem:s0+$0x4F30] =	vst v0  }
0x42: {  	[tilespmem:s0+$0x4F40] =	vst v0  }
0x43: {  	[tilespmem:s0+$0x4F50] =	vst v0  }
0x44: {  	[tilespmem:s0+$0x4F60] =	vst v0  }
0x45: {  	[spmem:s10] =	stream.linear.scatter [tilespmem:s29], [sflag:$0x2], $0x2000, $0x38;
	[tilespmem:$0x1E500] =	vst v63  }
0x46: {  	_ =	swait.ge [sflag:s25], $0x2000  }
0x47: {  	[sflag:s25] =	ssyncset.done $0x0  }
0x48: {  	s8 =	rddreg [dreg:$0xb];
	[sflag:s25] =	ssyncadd.s32 $0xFFFFE000  }
0x49: {  	[spmem:s8] =	stream.linear.scatter [tilespmem:s29], [sflag:$0x2], $0x2000, $0x38;
	[tilespmem:$0x1E500] =	vst v63  }
0x4a: {  	_ =	swait.ge [sflag:s25], $0x2000  }
0x4b: {  	[sflag:s25] =	ssyncset.done $0x0  }
0x4c: {  	[sflag:s25] =	ssyncadd.s32 $0xFFFFE000  }
0x4d: {  	[spmem:s17] =	stream.linear.scatter [tilespmem:s29], [sflag:$0x2], $0x2000, $0x38;
	[tilespmem:$0x1E500] =	vst v63  }
0x4e: {  	_ =	swait.ge [sflag:s25], $0x2000  }
0x4f: {  	[sflag:s25] =	ssyncset.done $0x0  }
0x50: {  	[sflag:s25] =	ssyncadd.s32 $0xFFFFE000  }
0x51: {  	[spmem:s18] =	stream.linear.scatter [tilespmem:s29], [sflag:$0x2], $0x2000, $0x38;
	[tilespmem:$0x1E500] =	vst v63  }
0x52: {  	_ =	swait.ge [sflag:s25], $0x2000  }
0x53: {  	[sflag:s25] =	ssyncset.done $0x0  }
0x54: {  	[sflag:s25] =	ssyncadd.s32 $0xFFFFE000  }
0x55: {  	[spmem:s19] =	stream.linear.scatter [tilespmem:s29], [sflag:$0x2], $0x2000, $0x38;
	[tilespmem:$0x1E500] =	vst v63  }
0x56: {  	_ =	swait.ge [sflag:s25], $0x2000  }
0x57: {  	[sflag:s25] =	ssyncset.done $0x0  }
0x58: {  	[sflag:s25] =	ssyncadd.s32 $0xFFFFE000  }
0x59: {  	[spmem:s20] =	stream.linear.scatter [tilespmem:s29], [sflag:$0x2], $0x2000, $0x38;
	[tilespmem:$0x1E500] =	vst v63  }
0x5a: {  	_ =	swait.ge [sflag:s25], $0x2000  }
0x5b: {  	[sflag:s25] =	ssyncset.done $0x0  }
0x5c: {  	[sflag:s25] =	ssyncadd.s32 $0xFFFFE000  }
0x5d: {  	[spmem:s21] =	stream.linear.scatter [tilespmem:s29], [sflag:$0x2], $0x2000, $0x38;
	[tilespmem:$0x1E500] =	vst v63  }
0x5e: {  	_ =	swait.ge [sflag:s25], $0x2000  }
0x5f: {  	[sflag:s25] =	ssyncset.done $0x0  }
0x60: {  	[sflag:s25] =	ssyncadd.s32 $0xFFFFE000  }
0x61: {  	[spmem:s22] =	stream.linear.scatter [tilespmem:s29], [sflag:$0x2], $0x2000, $0x38;
	[tilespmem:$0x1E500] =	vst v63  }
0x62: {  	_ =	swait.ge [sflag:s25], $0x2000  }
0x63: {  	[sflag:s25] =	ssyncset.done $0x0  }
0x64: {  	[sflag:s25] =	ssyncadd.s32 $0xFFFFE000  }
0x65: {  	[spmem:s23] =	stream.linear.scatter [tilespmem:s29], [sflag:$0x2], $0x2000, $0x38;
	[tilespmem:$0x1E500] =	vst v63  }
0x66: {  	_ =	swait.ge [sflag:s25], $0x2000  }
0x67: {  	[sflag:s25] =	ssyncset.done $0x0  }
0x68: {  	[sflag:s25] =	ssyncadd.s32 $0xFFFFE000  }
0x69: {  	[spmem:s24] =	stream.linear.scatter [tilespmem:s29], [sflag:$0x2], $0x2000, $0x38;
	[tilespmem:$0x1E500] =	vst v63  }
0x6a: {  	s9 =	stileid.u32;
	_ =	swait.ge [sflag:s25], $0x2000  }
0x6b: {  	s6 =	sshrl.u32 s11, $0x3;
	s0 =	sshll.u32 s9, $0x6;
	[sflag:s25] =	ssyncset.done $0x0  }
0x6c: {  	s0 =	sor.u32 $0x1C02, s0;
	s7 =	rddreg [dreg:$0x6];
	[sflag:s25] =	ssyncadd.s32 $0xFFFFE000  }
0x6d: {  	[spmem:s6], [sflag:s0] =	dma.local [hbm:s7], $0x280  }
0x6e: {  	_ =	swait.ge [sflag:s25], $0x280  }
0x6f: {  	[sflag:s25] =	ssyncset.done $0x0  }
0x70: {  	[sflag:s25] =	ssyncadd.s32 $0xFFFFFD80  }
0x71: {  	s14 =	simm.s32 $0x40;
	s15 =	simm.s32 $0x0;
	[bflag:$0x0] =	sbarrier.arrive $0xFFFF  }
0x72: {  	[tilespmem:s29], [sflag:$0x1] =	stream.indirect.gather [hbm4b:s1+s14], $0x80, s15, s14, $0xb8;
	[tilespmem:$0x1E500] =	vst v63  }
0x73: {  	s16 =	simm.s32 $0x0;
	_ =	swait.ge [sflag:s30], $0x2000  }
0x74: {  	s7 =	sand.u32 $0x2000, s16;
	[sflag:s30] =	ssyncset.done $0x0  }
0x75: {  	s8 =	sxor.u32 $0x6F00, s7;
	[sflag:s30] =	ssyncadd.s32 $0xFFFFE000  }
0x76: {  	[tilespmem:s8], [sflag:$0x1] =	stream.indirect.gather [hbm4b:s1+s31], $0x80, s14, s31, $0xb8;
	[tilespmem:$0x1E500] =	vst v63  }
0x77: {  	s26 =	sor.u32 $0x4F00, s7;
	s8 =	simm.s32 $0x2780  }
0x78: {  	[spmem:s3] =	stream.indirect.scatter.add.f32 [tilespmem:s26], [sflag:$0x3], $0x80, s8, s31, $0xb8;
	[tilespmem:$0x1E500] =	vst v63  }
0x79: {  	_ =	swait.ge [sflag:s2], $0x2000  }
0x7a: {  	s6 =	simm.s32 @!p1 $0x40;
	[sflag:s2] =	ssyncset.done $0x0  }
0x7b: {  	s7 =	simm.s32 @!p1 $0x8F00;
	s26 =	simm.s32 @!p1 $0x2;
	[sflag:s2] =	ssyncadd.s32 $0xFFFFE000  }
0x7c: {  	[spmem:s4] =	stream.indirect.scatter.add.f32 @!p1 [tilespmem:s7], [sflag:$0x2], $0x8, s8, s6, $0xb8;
	[tilespmem:$0x1E500] =	vst v63  }
0x7d: {  	_ =	swait.ge @!p1 [sflag:s26], $0x200  }
0x7e: {  	s9 =	simm.s32 $0x1;
	s14 =	simm.s32 $0x80;
	[sflag:s26] =	ssyncset.done @!p1 $0x0  }
.LBB2_8:
0x7f: {  	[sflag:s26] =	ssyncadd.s32 @!p1 $0xFFFFFE00  }
0x80: {  	s8 =	sadd.s32 $0x40, s8;
	s15 =	smov.u32 s9;
	s9 =	sadd.s32 $0x1, s9  }
0x81: {  	s15 =	sshll.u32 s15, $0xD;
	_ =	swait.ge [sflag:s30], $0x2000;
	p2 =	sne.s32 s9, $0x9D  }
0x82: {  	s15 =	sand.u32 $0x2000, s15;
	[sflag:s30] =	ssyncset.done $0x0  }
0x83: {  	[sflag:s30] =	ssyncadd.s32 $0xFFFFE000;
	s16 =	sxor.u32 $0x6F00, s15  }
0x84: {  	[tilespmem:s16], [sflag:$0x1] =	stream.indirect.gather [hbm4b:s1+s31], $0x80, s14, s31, $0xb8;
	[tilespmem:$0x1E500] =	vst v63  }
0x85: {  	s15 =	sor.u32 $0x4F00, s15  }
0x86: {  	[spmem:s3] =	stream.indirect.scatter.add.f32 [tilespmem:s15], [sflag:$0x3], $0x80, s8, s31, $0xb8;
	[tilespmem:$0x1E500] =	vst v63  }
0x87: {  	_ =	swait.ge [sflag:s2], $0x2000  }
.Ltmp3:
0x88: {  	[sflag:s2] =	ssyncset.done $0x0;
	(pc) =	sbr.rel @p2 .LBB2_8-.Ltmp3, $4  }
0x89: {  	[sflag:s2] =	ssyncadd.s32 $0xFFFFE000  }
0x8a: {  	[spmem:s4] =	stream.indirect.scatter.add.f32 @!p1 [tilespmem:s7], [sflag:$0x2], $0x8, s8, s6, $0xb8;
	[tilespmem:$0x1E500] =	vst v63  }
0x8b: {  	_ =	swait.ge @!p1 [sflag:s26], $0x200  }
0x8c: {  	s14 =	sadd.s32 $0x40, s14;
	[sflag:s26] =	ssyncset.done @!p1 $0x0  }
0x8d: {  	[sflag:s26] =	ssyncadd.s32 @!p1 $0xFFFFFE00  }
0x8e: {  	_ =	swait.ge [sflag:s30], $0x2000  }
0x8f: {  	[sflag:s30] =	ssyncset.done $0x0  }
0x90: {  	s8 =	simm.s32 $0x4EC0;
	s9 =	simm.s32 $0x6F00;
	[sflag:s30] =	ssyncadd.s32 $0xFFFFE000  }
0x91: {  	[spmem:s3] =	stream.indirect.scatter.add.f32 [tilespmem:s9], [sflag:$0x3], $0x80, s8, s31, $0xb8;
	[tilespmem:$0x1E500] =	vst v63  }
0x92: {  	_ =	swait.ge [sflag:s2], $0x2000  }
0x93: {  	[sflag:s2] =	ssyncset.done $0x0  }
0x94: {  	[sflag:s2] =	ssyncadd.s32 $0xFFFFE000  }
0x95: {  	s8 =	sshrl.u32 @p1 s13, $0x3;
	[bflag:$0x0] =	sbarrier.arrive @p1 $0xFFFF  }
0x96: {  	[hbm:s12], [sflag:s0] =	dma.local @p1 [spmem:s8], $0x2800  }
0x97: {  	s8 =	simm.s32 @p1 $0x2  }
0x98: {  	_ =	swait.ge @p1 [sflag:s8], $0x2800  }
0x99: {  	[sflag:s8] =	ssyncset.done @p1 $0x0  }
0x9a: {  	[sflag:s8] =	ssyncadd.s32 @p1 $0xFFFFD800;
	s8 =	simm.s32 @!p1 $0x4EC0  }
0x9b: {  	[spmem:s4] =	stream.indirect.scatter.add.f32 @!p1 [tilespmem:s7], [sflag:$0x2], $0x8, s8, s6, $0xb8;
	[tilespmem:$0x1E500] =	vst v63  }
0x9c: {  	_ =	swait.ge @!p1 [sflag:s26], $0x200  }
0x9d: {  	[sflag:s26] =	ssyncset.done @!p1 $0x0  }
0x9e: {  	[sflag:s26] =	ssyncadd.s32 @!p1 $0xFFFFFE00  }
0x9f: {  	s6 =	sshrl.u32 @!p1 s13, $0x3;
	[bflag:$0x0] =	sbarrier.arrive @!p1 $0xFFFF  }
0xa0: {  	[hbm:s12], [sflag:s0] =	dma.local @!p1 [spmem:s6], $0x2800  }
0xa1: {  	_ =	swait.ge @!p1 [sflag:s26], $0x2800  }
0xa2: {  	[sflag:s26] =	ssyncset.done @!p1 $0x0  }
0xa3: {  	s6 =	sshrl.u32 @!p1 s11, $0x3;
	s7 =	rddreg [dreg:$0x9];
	[sflag:s26] =	ssyncadd.s32 @!p1 $0xFFFFD800  }
0xa4: {  	[hbm:s7], [sflag:s0] =	dma.local @!p1 [spmem:s6], $0x280  }
0xa5: {  	_ =	swait.ge @!p1 [sflag:s26], $0x280  }
0xa6: {  	s28 =	sadd.s32 $0x1, s28;
	s16 =	rddreg [dreg:$0xa]  }
0xa7: {  	p2 =	sne.s32 s28, s16  }
.Ltmp4:
0xa8: {  	_ = 	snop;
	(pc) =	sbr.rel @p2 .LBB2_1-.Ltmp4, $3  }
0xa9: {  	_ =	sdelay $0x1  }
0xaa: {  	[sflag:s26] =	ssyncset.done @!p1 $0x0  }
0xab: {  	[sflag:s26] =	ssyncadd.s32 @!p1 $0xFFFFFD80  }
0xac: {  	_ =	sfence.sel $0x180000  }
0xad: {  	[bflag:$0x0] =	sbarrier.arrive $0xFFFF  }
0xae: {  	_ =	strace $0x9000004A  }
0xaf: {  	s0 =	stileid.u32;
	[bflag:$0x2] =	sbarrier.arrive $0xFFFF  }
0xb0: {  	p0 =	sne.s32 s0, $0x0;
	s0 =	rddreg [dreg:$0x4]  }
0xb1: {  	s0 =	sadd.s32 @!p0 $0x100000, s0  }
0xb2: {  	[sflag:s0] =	ssyncadd.tile.s32 @!p0 $0x1;
	_ =	shalt  }
.Lfunc_end2:
_tile_overlayer_lowered:
.L_overlay_start_2:
0xb3: {  	(tag) =	ssettag $0x2  }
0xb4: {  	s0 =	rddreg [dreg:$0x0];
	s2 =	stileid.u32  }
0xb5: {  	s1 =	rddreg [dreg:$0x1];
	p0 =	sne.s32 s2, $0x0  }
0xb6: {  	s3 =	rddreg [dreg:$0x2];
	[bflag:$0x3] =	sbarrier.arrive $0xFFFF;
	s2 =	simm.s32 @!p0 $0x1C02  }
0xb7: {  	[timem:s3], [sflag:s2] =	dma.local @!p0 [hbm:s0], s1  }
0xb8: {  	s0 =	simm.s32 @!p0 $0x2  }
0xb9: {  	_ =	swait.ge @!p0 [sflag:s0], s1  }
0xba: {  	s1 =	ssub.s32 @!p0 $0x0, s1;
	[sflag:s0] =	ssyncset.done @!p0 $0x0  }
0xbb: {  	[sflag:s0] =	ssyncadd.s32 @!p0 s1  }
0xbc: {  	[bflag:$0x3] =	sbarrier.arrive $0xFFFF  }
0xbd: {  	_ =	shalt  }

</sc_bundles>
